<compile_context>
chip_gen: v7x
topology: tpu7x:2x2x1
jax: 0.10.2.dev20260603
libtpu: 0.0.44.dev20260713+nightly
codegen_flags: <defaults>
</compile_context>

<pallas_src>
import functools

import jax
import jax.numpy as jnp
from jax import lax
from jax.experimental import pallas as pl
from jax.experimental.pallas import tpu as pltpu
from jax.experimental.pallas import tpu_sc as plsc

NUM_HEADS = 32
T = 31
TT = T * T
WIN = 256
LL = WIN * WIN

NC = 2
NS = 16
LANES = 16
NW = NC * NS
CHUNK = LL // NW
ROWS = CHUNK // WIN
NSUB = 8
SUBR = ROWS // NSUB
SUB = CHUNK // NSUB
assert SUBR == 1 and SUB == WIN


def _make_sc_call():
    mesh = plsc.VectorSubcoreMesh(core_axis_name="c", subcore_axis_name="s")

    @functools.partial(
        pl.kernel,
        out_type=jax.ShapeDtypeStruct((NUM_HEADS, WIN, WIN), jnp.float32),
        mesh=mesh,
        compiler_params=pltpu.CompilerParams(needs_layout_passes=False),
        scratch_types=[
            pltpu.VMEM((NUM_HEADS * TT,), jnp.float32),
            pltpu.VMEM((CHUNK,), jnp.int32),
            pltpu.VMEM((CHUNK,), jnp.int32),
            pltpu.VMEM((2, NUM_HEADS, SUBR, WIN), jnp.float32),
            pltpu.SemaphoreType.DMA,
            pltpu.SemaphoreType.DMA,
            pltpu.SemaphoreType.DMA,
            pltpu.SemaphoreType.DMA,
        ],
    )
    def sc_kernel(bias_hbm, idxh_hbm, idxw_hbm, out_hbm,
                  tab_v, ih_v, iw_v, ob_v, sem_t, sem_h, sem_w, sem_o):
        cid = lax.axis_index("c")
        sid = lax.axis_index("s")
        wid = sid * NC + cid
        base = wid * CHUNK
        row_base = wid * ROWS

        cp_t = pltpu.async_copy(bias_hbm, tab_v, sem_t)
        cp_h = pltpu.async_copy(idxh_hbm.at[pl.ds(base, CHUNK)], ih_v, sem_h)
        cp_w = pltpu.async_copy(idxw_hbm.at[pl.ds(base, CHUNK)], iw_v, sem_w)
        cp_h.wait()
        cp_w.wait()
        cp_t.wait()

        def drain_one(buf):
            pltpu.make_async_copy(
                out_hbm.at[:, pl.ds(0, SUBR), :], ob_v.at[buf], sem_o
            ).wait()

        def subchunk(s, carry):
            buf = s % 2

            @pl.when(s >= 2)
            def _():
                drain_one(0)

            @plsc.parallel_loop(0, SUB, LANES, unroll=1)
            def body(off):
                h16 = ih_v[pl.ds(s * SUB + off, LANES)]
                w16 = iw_v[pl.ds(s * SUB + off, LANES)]
                flat = h16 * T + w16
                for h in range(NUM_HEADS):
                    vals = plsc.load_gather(tab_v, [flat + h * TT])
                    ob_v[buf, h, 0, pl.ds(off, LANES)] = vals

            pltpu.async_copy(
                ob_v.at[buf],
                out_hbm.at[:, pl.ds(row_base + s * SUBR, SUBR), :],
                sem_o,
            )
            return carry

        lax.fori_loop(0, NSUB, subchunk, 0)
        drain_one(0)
        drain_one(1)

    return sc_kernel


_sc_call = _make_sc_call()


def kernel(bias, idx_h, idx_w):
    bias_flat = bias.reshape(NUM_HEADS * TT)
    return _sc_call(bias_flat, idx_h.astype(jnp.int32), idx_w.astype(jnp.int32))

# --- scband reference (transcript-rebuilt; emitter-appended) ---
"""Pipeline reference for scband-relative-positional-bias-18949395710406 (READ-ONLY COPY).

The authoritative reference and input builder live on the scoring server;
editing this copy changes nothing except your own understanding.
"""

import jax, jax.numpy as jnp
import numpy as np

NUM_HEADS = 32
WINDOW_SIZE = 16
L = WINDOW_SIZE * WINDOW_SIZE  # 256 tokens per window


def setup_inputs(seed: int = 0) -> dict:
    key = jax.random.key(seed)
    k1, k2, k3 = jax.random.split(key, 3)
    # learned relative positional bias table: [num_heads, 2W-1, 2W-1]
    bias = jax.random.normal(k1, (NUM_HEADS, 2 * WINDOW_SIZE - 1, 2 * WINDOW_SIZE - 1), dtype=jnp.float32) * 0.02
    # flattened relative coordinate indices for every (query, key) pair in the window
    idx_h = jax.random.randint(k2, (L * L,), 0, 2 * WINDOW_SIZE - 1, dtype=jnp.int64)
    idx_w = jax.random.randint(k3, (L * L,), 0, 2 * WINDOW_SIZE - 1, dtype=jnp.int64)
    return {"bias": bias, "idx_h": idx_h, "idx_w": idx_w}


def reference(bias, idx_h, idx_w):
    # gather the per-head bias for every (q, k) pair: bias[:, rel_h, rel_w]
    gathered = bias[:, idx_h, idx_w]  # [num_heads, L*L]
    return gathered.reshape(NUM_HEADS, L, L)

if __name__ == "__main__":
    import jax
    _d = setup_inputs()
    print(jax.jit(kernel)(*tuple(_d.values())))

</pallas_src>

<mosaic_0001>
#map = affine_map<(d0, d1) -> (0)>
#map1 = affine_map<(d0, d1) -> (0, 0, 0)>
module attributes {stable_mosaic.version = 14 : i64} {
  func.func @sc_kernel(%arg0: i32, %arg1: i32, %arg2: memref<30752xf32, #tpu.memory_space<hbm>>, %arg3: memref<65536xi32, #tpu.memory_space<hbm>>, %arg4: memref<65536xi32, #tpu.memory_space<hbm>>, %arg5: memref<32x256x256xf32, #tpu.memory_space<hbm>>, %arg6: memref<30752xf32, #tpu.memory_space<vmem>>, %arg7: memref<2048xi32, #tpu.memory_space<vmem>>, %arg8: memref<2048xi32, #tpu.memory_space<vmem>>, %arg9: memref<2x32x1x256xf32, #tpu.memory_space<vmem>>, %arg10: memref<!tpu.dma_semaphore, #tpu.memory_space<semaphore_mem>>, %arg11: memref<!tpu.dma_semaphore, #tpu.memory_space<semaphore_mem>>, %arg12: memref<!tpu.dma_semaphore, #tpu.memory_space<semaphore_mem>>, %arg13: memref<!tpu.dma_semaphore, #tpu.memory_space<semaphore_mem>>) attributes {dimension_semantics = [#tpu.dimension_semantics<core_parallel>, #tpu.dimension_semantics<subcore_parallel>], iteration_bounds = array<i64: 2, 16>, scalar_prefetch = 0 : i64, scratch_operands = 8 : i64, tpu.core_type = #tpu.core_type<sc_vector_subcore>, window_params = [{transform_indices = #map}, {transform_indices = #map}, {transform_indices = #map}, {transform_indices = #map1}]} {
    %mul3A = arith.constant 2 : i32
    %mul3A_0 = arith.muli %arg1, %mul3A : i32
    %add3A = arith.addi %mul3A_0, %arg0 : i32
    %mul3A_1 = arith.constant 2048 : i32
    %mul3A_2 = arith.muli %add3A, %mul3A_1 : i32
    %mul3A_3 = arith.constant 8 : i32
    %mul3A_4 = arith.muli %add3A, %mul3A_3 : i32
    tpu.enqueue_dma source(%arg2 : memref<30752xf32, #tpu.memory_space<hbm>>) target(%arg6 : memref<30752xf32, #tpu.memory_space<vmem>>) target_semaphore(%arg10 : memref<!tpu.dma_semaphore, #tpu.memory_space<semaphore_mem>>)
    %dma_start3A = tpu.memref_slice %arg3[%mul3A_2] : memref<65536xi32, #tpu.memory_space<hbm>> -> memref<2048xi32, #tpu.memory_space<hbm>>
    %dma_start3A_5 = tpu.memref_slice %arg3[%mul3A_2] : memref<65536xi32, #tpu.memory_space<hbm>> -> memref<2048xi32, #tpu.memory_space<hbm>>
    tpu.enqueue_dma source(%dma_start3A_5 : memref<2048xi32, #tpu.memory_space<hbm>>) target(%arg7 : memref<2048xi32, #tpu.memory_space<vmem>>) target_semaphore(%arg11 : memref<!tpu.dma_semaphore, #tpu.memory_space<semaphore_mem>>)
    %dma_start3A_6 = tpu.memref_slice %arg4[%mul3A_2] : memref<65536xi32, #tpu.memory_space<hbm>> -> memref<2048xi32, #tpu.memory_space<hbm>>
    %dma_start3A_7 = tpu.memref_slice %arg4[%mul3A_2] : memref<65536xi32, #tpu.memory_space<hbm>> -> memref<2048xi32, #tpu.memory_space<hbm>>
    tpu.enqueue_dma source(%dma_start3A_7 : memref<2048xi32, #tpu.memory_space<hbm>>) target(%arg8 : memref<2048xi32, #tpu.memory_space<vmem>>) target_semaphore(%arg12 : memref<!tpu.dma_semaphore, #tpu.memory_space<semaphore_mem>>)
    %dma_wait3A = tpu.memref_slice %arg3[%mul3A_2] : memref<65536xi32, #tpu.memory_space<hbm>> -> memref<2048xi32, #tpu.memory_space<hbm>>
    %dma_wait3A_8 = tpu.memref_slice %arg3[%mul3A_2] : memref<65536xi32, #tpu.memory_space<hbm>> -> memref<2048xi32, #tpu.memory_space<hbm>>
    tpu.wait_dma2 semaphore(%arg11 : memref<!tpu.dma_semaphore, #tpu.memory_space<semaphore_mem>>) src(%dma_wait3A_8 : memref<2048xi32, #tpu.memory_space<hbm>>) dst(%arg7 : memref<2048xi32, #tpu.memory_space<vmem>>)
    %dma_wait3A_9 = tpu.memref_slice %arg4[%mul3A_2] : memref<65536xi32, #tpu.memory_space<hbm>> -> memref<2048xi32, #tpu.memory_space<hbm>>
    %dma_wait3A_10 = tpu.memref_slice %arg4[%mul3A_2] : memref<65536xi32, #tpu.memory_space<hbm>> -> memref<2048xi32, #tpu.memory_space<hbm>>
    tpu.wait_dma2 semaphore(%arg12 : memref<!tpu.dma_semaphore, #tpu.memory_space<semaphore_mem>>) src(%dma_wait3A_10 : memref<2048xi32, #tpu.memory_space<hbm>>) dst(%arg8 : memref<2048xi32, #tpu.memory_space<vmem>>)
    tpu.wait_dma2 semaphore(%arg10 : memref<!tpu.dma_semaphore, #tpu.memory_space<semaphore_mem>>) src(%arg2 : memref<30752xf32, #tpu.memory_space<hbm>>) dst(%arg6 : memref<30752xf32, #tpu.memory_space<vmem>>)
    %scan3A = arith.constant 0 : i32
    %scan3A_11 = arith.constant 0 : i32
    %scan3A_12 = arith.constant 8 : i32
    %scan3A_13 = arith.addi %scan3A_11, %scan3A_12 : i32
    %scan3A_14 = arith.constant 1 : i32
    scf.for %scan3A_54 = %scan3A_11 to %scan3A_13 step %scan3A_14  : i32 {
      %jit3A = arith.constant 2 : i32
      %eq3A = arith.constant 0 : i32
      %eq3A_55 = arith.cmpi eq, %jit3A, %eq3A : i32
      %jit3A_56 = arith.constant 1 : i32
      %select_n3A = arith.select %eq3A_55, %jit3A_56, %jit3A : i32
      %rem3A = arith.remsi %scan3A_54, %select_n3A : i32
      %ne3A = arith.constant 0 : i32
      %ne3A_57 = arith.cmpi ne, %rem3A, %ne3A : i32
      %lt3A = arith.constant 0 : i32
      %lt3A_58 = arith.cmpi slt, %rem3A, %lt3A : i32
      %lt3A_59 = arith.constant 0 : i32
      %lt3A_60 = arith.cmpi slt, %select_n3A, %lt3A_59 : i32
      %ne3A_61 = arith.xori %lt3A_58, %lt3A_60 : i1
      %and3A = arith.andi %ne3A_61, %ne3A_57 : i1
      %add3A_62 = arith.addi %rem3A, %select_n3A : i32
      %select_n3A_63 = arith.select %and3A, %add3A_62, %rem3A : i32
      %ge3A = arith.constant 2 : i32
      %ge3A_64 = arith.cmpi sge, %scan3A_54, %ge3A : i32
      %convert_element_type3A = arith.extui %ge3A_64 : i1 to i32
      %cond3A = arith.constant 0 : i32
      %cond3A_65 = arith.cmpi ne, %convert_element_type3A, %cond3A : i32
      scf.if %cond3A_65 {
        %dma_wait3A_87 = arith.constant 0 : i32
        %dma_wait3A_88 = arith.constant 0 : i32
        %dma_wait3A_89 = arith.constant 0 : i32
        %dma_wait3A_90 = arith.constant 0 : i32
        %dma_wait3A_91 = tpu.memref_slice %arg9[%dma_wait3A_87, %dma_wait3A_88, %dma_wait3A_89, %dma_wait3A_90] : memref<2x32x1x256xf32, #tpu.memory_space<vmem>> -> memref<1x32x1x256xf32, #tpu.memory_space<vmem>>
        %dma_wait3A_92 = tpu.memref_squeeze %dma_wait3A_91 : memref<1x32x1x256xf32, #tpu.memory_space<vmem>> -> memref<32x1x256xf32, #tpu.memory_space<vmem>>
        %dma_wait3A_93 = arith.constant 0 : i32
        %dma_wait3A_94 = arith.constant 0 : i32
        %dma_wait3A_95 = arith.constant 0 : i32
        %dma_wait3A_96 = tpu.memref_slice %arg5[%dma_wait3A_93, %dma_wait3A_94, %dma_wait3A_95] : memref<32x256x256xf32, #tpu.memory_space<hbm>> -> memref<32x1x256xf32, #tpu.memory_space<hbm>>
        %dma_wait3A_97 = arith.constant 0 : i32
        %dma_wait3A_98 = arith.constant 0 : i32
        %dma_wait3A_99 = arith.constant 0 : i32
        %dma_wait3A_100 = tpu.memref_slice %arg9[%dma_wait3A_87, %dma_wait3A_97, %dma_wait3A_98, %dma_wait3A_99] : memref<2x32x1x256xf32, #tpu.memory_space<vmem>> -> memref<1x32x1x256xf32, #tpu.memory_space<vmem>>
        %dma_wait3A_101 = tpu.memref_squeeze %dma_wait3A_100 : memref<1x32x1x256xf32, #tpu.memory_space<vmem>> -> memref<32x1x256xf32, #tpu.memory_space<vmem>>
        %dma_wait3A_102 = arith.constant 0 : i32
        %dma_wait3A_103 = arith.constant 0 : i32
        %dma_wait3A_104 = arith.constant 0 : i32
        %dma_wait3A_105 = tpu.memref_slice %arg5[%dma_wait3A_102, %dma_wait3A_103, %dma_wait3A_104] : memref<32x256x256xf32, #tpu.memory_space<hbm>> -> memref<32x1x256xf32, #tpu.memory_space<hbm>>
        tpu.wait_dma2 semaphore(%arg13 : memref<!tpu.dma_semaphore, #tpu.memory_space<semaphore_mem>>) src(%dma_wait3A_105 : memref<32x1x256xf32, #tpu.memory_space<hbm>>) dst(%dma_wait3A_101 : memref<32x1x256xf32, #tpu.memory_space<vmem>>)
      } else {
      }
      %parallel_loop3A = arith.constant 0 : i32
      %parallel_loop3A_66 = arith.constant 256 : i32
      %parallel_loop3A_67 = arith.constant 16 : i32
      scf.for %parallel_loop3A_87 = %parallel_loop3A to %parallel_loop3A_66 step %parallel_loop3A_67  : i32 {
        %parallel_loop3A_88 = arith.constant 256 : i32
        %parallel_loop3A_89 = arith.muli %scan3A_54, %parallel_loop3A_88 : i32
        %parallel_loop3A_90 = arith.addi %parallel_loop3A_89, %parallel_loop3A_87 : i32
        %parallel_loop3A_91 = arith.index_cast %parallel_loop3A_90 : i32 to index
        %parallel_loop3A_92 = tpu.vector_load %arg7[%parallel_loop3A_91] {strides = array<i32>} : memref<2048xi32, #tpu.memory_space<vmem>>, vector<16xi32>,
        %parallel_loop3A_93 = arith.constant 256 : i32
        %parallel_loop3A_94 = arith.muli %scan3A_54, %parallel_loop3A_93 : i32
        %parallel_loop3A_95 = arith.addi %parallel_loop3A_94, %parallel_loop3A_87 : i32
        %parallel_loop3A_96 = arith.index_cast %parallel_loop3A_95 : i32 to index
        %parallel_loop3A_97 = tpu.vector_load %arg8[%parallel_loop3A_96] {strides = array<i32>} : memref<2048xi32, #tpu.memory_space<vmem>>, vector<16xi32>,
        %parallel_loop3A_98 = arith.constant 31 : i32
        %parallel_loop3A_99 = vector.broadcast %parallel_loop3A_98 : i32 to vector<16xi32>
        %parallel_loop3A_100 = arith.muli %parallel_loop3A_92, %parallel_loop3A_99 : vector<16xi32>
        %parallel_loop3A_101 = arith.addi %parallel_loop3A_100, %parallel_loop3A_97 : vector<16xi32>
        %parallel_loop3A_102 = arith.constant 0 : i32
        %parallel_loop3A_103 = vector.broadcast %parallel_loop3A_102 : i32 to vector<16xi32>
        %parallel_loop3A_104 = arith.addi %parallel_loop3A_101, %parallel_loop3A_103 : vector<16xi32>
        %parallel_loop3A_105 = tpu.vector_load_idx %arg6[%parallel_loop3A_104] : memref<30752xf32, #tpu.memory_space<vmem>>[vector<16xi32>], vector<16xf32>,
        %parallel_loop3A_106 = arith.constant 0 : i32
        %parallel_loop3A_107 = arith.constant 0 : i32
        %parallel_loop3A_108 = arith.index_cast %select_n3A_63 : i32 to index
        %parallel_loop3A_109 = arith.index_cast %parallel_loop3A_106 : i32 to index
        %parallel_loop3A_110 = arith.index_cast %parallel_loop3A_107 : i32 to index
        %parallel_loop3A_111 = arith.index_cast %parallel_loop3A_87 : i32 to index
        %parallel_loop3A_112 = tpu.vector_load %arg9[%parallel_loop3A_108, %parallel_loop3A_109, %parallel_loop3A_110, %parallel_loop3A_111] {strides = array<i32>} : memref<2x32x1x256xf32, #tpu.memory_space<vmem>>, vector<16xf32>,
        tpu.vector_store %arg9[%parallel_loop3A_108, %parallel_loop3A_109, %parallel_loop3A_110, %parallel_loop3A_111], %parallel_loop3A_105 {strides = array<i32>} : memref<2x32x1x256xf32, #tpu.memory_space<vmem>>, vector<16xf32>,
        %parallel_loop3A_113 = arith.constant 961 : i32
        %parallel_loop3A_114 = vector.broadcast %parallel_loop3A_113 : i32 to vector<16xi32>
        %parallel_loop3A_115 = arith.addi %parallel_loop3A_101, %parallel_loop3A_114 : vector<16xi32>
        %parallel_loop3A_116 = tpu.vector_load_idx %arg6[%parallel_loop3A_115] : memref<30752xf32, #tpu.memory_space<vmem>>[vector<16xi32>], vector<16xf32>,
        %parallel_loop3A_117 = arith.constant 1 : i32
        %parallel_loop3A_118 = arith.constant 0 : i32
        %parallel_loop3A_119 = arith.index_cast %select_n3A_63 : i32 to index
        %parallel_loop3A_120 = arith.index_cast %parallel_loop3A_117 : i32 to index
        %parallel_loop3A_121 = arith.index_cast %parallel_loop3A_118 : i32 to index
        %parallel_loop3A_122 = arith.index_cast %parallel_loop3A_87 : i32 to index
        %parallel_loop3A_123 = tpu.vector_load %arg9[%parallel_loop3A_119, %parallel_loop3A_120, %parallel_loop3A_121, %parallel_loop3A_122] {strides = array<i32>} : memref<2x32x1x256xf32, #tpu.memory_space<vmem>>, vector<16xf32>,
        tpu.vector_store %arg9[%parallel_loop3A_119, %parallel_loop3A_120, %parallel_loop3A_121, %parallel_loop3A_122], %parallel_loop3A_116 {strides = array<i32>} : memref<2x32x1x256xf32, #tpu.memory_space<vmem>>, vector<16xf32>,
        %parallel_loop3A_124 = arith.constant 1922 : i32
        %parallel_loop3A_125 = vector.broadcast %parallel_loop3A_124 : i32 to vector<16xi32>
        %parallel_loop3A_126 = arith.addi %parallel_loop3A_101, %parallel_loop3A_125 : vector<16xi32>
        %parallel_loop3A_127 = tpu.vector_load_idx %arg6[%parallel_loop3A_126] : memref<30752xf32, #tpu.memory_space<vmem>>[vector<16xi32>], vector<16xf32>,
        %parallel_loop3A_128 = arith.constant 2 : i32
        %parallel_loop3A_129 = arith.constant 0 : i32
        %parallel_loop3A_130 = arith.index_cast %select_n3A_63 : i32 to index
        %parallel_loop3A_131 = arith.index_cast %parallel_loop3A_128 : i32 to index
        %parallel_loop3A_132 = arith.index_cast %parallel_loop3A_129 : i32 to index
        %parallel_loop3A_133 = arith.index_cast %parallel_loop3A_87 : i32 to index
        %parallel_loop3A_134 = tpu.vector_load %arg9[%parallel_loop3A_130, %parallel_loop3A_131, %parallel_loop3A_132, %parallel_loop3A_133] {strides = array<i32>} : memref<2x32x1x256xf32, #tpu.memory_space<vmem>>, vector<16xf32>,
        tpu.vector_store %arg9[%parallel_loop3A_130, %parallel_loop3A_131, %parallel_loop3A_132, %parallel_loop3A_133], %parallel_loop3A_127 {strides = array<i32>} : memref<2x32x1x256xf32, #tpu.memory_space<vmem>>, vector<16xf32>,
        %parallel_loop3A_135 = arith.constant 2883 : i32
        %parallel_loop3A_136 = vector.broadcast %parallel_loop3A_135 : i32 to vector<16xi32>
        %parallel_loop3A_137 = arith.addi %parallel_loop3A_101, %parallel_loop3A_136 : vector<16xi32>
        %parallel_loop3A_138 = tpu.vector_load_idx %arg6[%parallel_loop3A_137] : memref<30752xf32, #tpu.memory_space<vmem>>[vector<16xi32>], vector<16xf32>,
        %parallel_loop3A_139 = arith.constant 3 : i32
        %parallel_loop3A_140 = arith.constant 0 : i32
        %parallel_loop3A_141 = arith.index_cast %select_n3A_63 : i32 to index
        %parallel_loop3A_142 = arith.index_cast %parallel_loop3A_139 : i32 to index
        %parallel_loop3A_143 = arith.index_cast %parallel_loop3A_140 : i32 to index
        %parallel_loop3A_144 = arith.index_cast %parallel_loop3A_87 : i32 to index
        %parallel_loop3A_145 = tpu.vector_load %arg9[%parallel_loop3A_141, %parallel_loop3A_142, %parallel_loop3A_143, %parallel_loop3A_144] {strides = array<i32>} : memref<2x32x1x256xf32, #tpu.memory_space<vmem>>, vector<16xf32>,
        tpu.vector_store %arg9[%parallel_loop3A_141, %parallel_loop3A_142, %parallel_loop3A_143, %parallel_loop3A_144], %parallel_loop3A_138 {strides = array<i32>} : memref<2x32x1x256xf32, #tpu.memory_space<vmem>>, vector<16xf32>,
        %parallel_loop3A_146 = arith.constant 3844 : i32
        %parallel_loop3A_147 = vector.broadcast %parallel_loop3A_146 : i32 to vector<16xi32>
        %parallel_loop3A_148 = arith.addi %parallel_loop3A_101, %parallel_loop3A_147 : vector<16xi32>
        %parallel_loop3A_149 = tpu.vector_load_idx %arg6[%parallel_loop3A_148] : memref<30752xf32, #tpu.memory_space<vmem>>[vector<16xi32>], vector<16xf32>,
        %parallel_loop3A_150 = arith.constant 4 : i32
        %parallel_loop3A_151 = arith.constant 0 : i32
        %parallel_loop3A_152 = arith.index_cast %select_n3A_63 : i32 to index
        %parallel_loop3A_153 = arith.index_cast %parallel_loop3A_150 : i32 to index
        %parallel_loop3A_154 = arith.index_cast %parallel_loop3A_151 : i32 to index
        %parallel_loop3A_155 = arith.index_cast %parallel_loop3A_87 : i32 to index
        %parallel_loop3A_156 = tpu.vector_load %arg9[%parallel_loop3A_152, %parallel_loop3A_153, %parallel_loop3A_154, %parallel_loop3A_155] {strides = array<i32>} : memref<2x32x1x256xf32, #tpu.memory_space<vmem>>, vector<16xf32>,
        tpu.vector_store %arg9[%parallel_loop3A_152, %parallel_loop3A_153, %parallel_loop3A_154, %parallel_loop3A_155], %parallel_loop3A_149 {strides = array<i32>} : memref<2x32x1x256xf32, #tpu.memory_space<vmem>>, vector<16xf32>,
        %parallel_loop3A_157 = arith.constant 4805 : i32
        %parallel_loop3A_158 = vector.broadcast %parallel_loop3A_157 : i32 to vector<16xi32>
        %parallel_loop3A_159 = arith.addi %parallel_loop3A_101, %parallel_loop3A_158 : vector<16xi32>
        %parallel_loop3A_160 = tpu.vector_load_idx %arg6[%parallel_loop3A_159] : memref<30752xf32, #tpu.memory_space<vmem>>[vector<16xi32>], vector<16xf32>,
        %parallel_loop3A_161 = arith.constant 5 : i32
        %parallel_loop3A_162 = arith.constant 0 : i32
        %parallel_loop3A_163 = arith.index_cast %select_n3A_63 : i32 to index
        %parallel_loop3A_164 = arith.index_cast %parallel_loop3A_161 : i32 to index
        %parallel_loop3A_165 = arith.index_cast %parallel_loop3A_162 : i32 to index
        %parallel_loop3A_166 = arith.index_cast %parallel_loop3A_87 : i32 to index
        %parallel_loop3A_167 = tpu.vector_load %arg9[%parallel_loop3A_163, %parallel_loop3A_164, %parallel_loop3A_165, %parallel_loop3A_166] {strides = array<i32>} : memref<2x32x1x256xf32, #tpu.memory_space<vmem>>, vector<16xf32>,
        tpu.vector_store %arg9[%parallel_loop3A_163, %parallel_loop3A_164, %parallel_loop3A_165, %parallel_loop3A_166], %parallel_loop3A_160 {strides = array<i32>} : memref<2x32x1x256xf32, #tpu.memory_space<vmem>>, vector<16xf32>,
        %parallel_loop3A_168 = arith.constant 5766 : i32
        %parallel_loop3A_169 = vector.broadcast %parallel_loop3A_168 : i32 to vector<16xi32>
        %parallel_loop3A_170 = arith.addi %parallel_loop3A_101, %parallel_loop3A_169 : vector<16xi32>
        %parallel_loop3A_171 = tpu.vector_load_idx %arg6[%parallel_loop3A_170] : memref<30752xf32, #tpu.memory_space<vmem>>[vector<16xi32>], vector<16xf32>,
        %parallel_loop3A_172 = arith.constant 6 : i32
        %parallel_loop3A_173 = arith.constant 0 : i32
        %parallel_loop3A_174 = arith.index_cast %select_n3A_63 : i32 to index
        %parallel_loop3A_175 = arith.index_cast %parallel_loop3A_172 : i32 to index
        %parallel_loop3A_176 = arith.index_cast %parallel_loop3A_173 : i32 to index
        %parallel_loop3A_177 = arith.index_cast %parallel_loop3A_87 : i32 to index
        %parallel_loop3A_178 = tpu.vector_load %arg9[%parallel_loop3A_174, %parallel_loop3A_175, %parallel_loop3A_176, %parallel_loop3A_177] {strides = array<i32>} : memref<2x32x1x256xf32, #tpu.memory_space<vmem>>, vector<16xf32>,
        tpu.vector_store %arg9[%parallel_loop3A_174, %parallel_loop3A_175, %parallel_loop3A_176, %parallel_loop3A_177], %parallel_loop3A_171 {strides = array<i32>} : memref<2x32x1x256xf32, #tpu.memory_space<vmem>>, vector<16xf32>,
        %parallel_loop3A_179 = arith.constant 6727 : i32
        %parallel_loop3A_180 = vector.broadcast %parallel_loop3A_179 : i32 to vector<16xi32>
        %parallel_loop3A_181 = arith.addi %parallel_loop3A_101, %parallel_loop3A_180 : vector<16xi32>
        %parallel_loop3A_182 = tpu.vector_load_idx %arg6[%parallel_loop3A_181] : memref<30752xf32, #tpu.memory_space<vmem>>[vector<16xi32>], vector<16xf32>,
        %parallel_loop3A_183 = arith.constant 7 : i32
        %parallel_loop3A_184 = arith.constant 0 : i32
        %parallel_loop3A_185 = arith.index_cast %select_n3A_63 : i32 to index
        %parallel_loop3A_186 = arith.index_cast %parallel_loop3A_183 : i32 to index
        %parallel_loop3A_187 = arith.index_cast %parallel_loop3A_184 : i32 to index
        %parallel_loop3A_188 = arith.index_cast %parallel_loop3A_87 : i32 to index
        %parallel_loop3A_189 = tpu.vector_load %arg9[%parallel_loop3A_185, %parallel_loop3A_186, %parallel_loop3A_187, %parallel_loop3A_188] {strides = array<i32>} : memref<2x32x1x256xf32, #tpu.memory_space<vmem>>, vector<16xf32>,
        tpu.vector_store %arg9[%parallel_loop3A_185, %parallel_loop3A_186, %parallel_loop3A_187, %parallel_loop3A_188], %parallel_loop3A_182 {strides = array<i32>} : memref<2x32x1x256xf32, #tpu.memory_space<vmem>>, vector<16xf32>,
        %parallel_loop3A_190 = arith.constant 7688 : i32
        %parallel_loop3A_191 = vector.broadcast %parallel_loop3A_190 : i32 to vector<16xi32>
        %parallel_loop3A_192 = arith.addi %parallel_loop3A_101, %parallel_loop3A_191 : vector<16xi32>
        %parallel_loop3A_193 = tpu.vector_load_idx %arg6[%parallel_loop3A_192] : memref<30752xf32, #tpu.memory_space<vmem>>[vector<16xi32>], vector<16xf32>,
        %parallel_loop3A_194 = arith.constant 8 : i32
        %parallel_loop3A_195 = arith.constant 0 : i32
        %parallel_loop3A_196 = arith.index_cast %select_n3A_63 : i32 to index
        %parallel_loop3A_197 = arith.index_cast %parallel_loop3A_194 : i32 to index
        %parallel_loop3A_198 = arith.index_cast %parallel_loop3A_195 : i32 to index
        %parallel_loop3A_199 = arith.index_cast %parallel_loop3A_87 : i32 to index
        %parallel_loop3A_200 = tpu.vector_load %arg9[%parallel_loop3A_196, %parallel_loop3A_197, %parallel_loop3A_198, %parallel_loop3A_199] {strides = array<i32>} : memref<2x32x1x256xf32, #tpu.memory_space<vmem>>, vector<16xf32>,
        tpu.vector_store %arg9[%parallel_loop3A_196, %parallel_loop3A_197, %parallel_loop3A_198, %parallel_loop3A_199], %parallel_loop3A_193 {strides = array<i32>} : memref<2x32x1x256xf32, #tpu.memory_space<vmem>>, vector<16xf32>,
        %parallel_loop3A_201 = arith.constant 8649 : i32
        %parallel_loop3A_202 = vector.broadcast %parallel_loop3A_201 : i32 to vector<16xi32>
        %parallel_loop3A_203 = arith.addi %parallel_loop3A_101, %parallel_loop3A_202 : vector<16xi32>
        %parallel_loop3A_204 = tpu.vector_load_idx %arg6[%parallel_loop3A_203] : memref<30752xf32, #tpu.memory_space<vmem>>[vector<16xi32>], vector<16xf32>,
        %parallel_loop3A_205 = arith.constant 9 : i32
        %parallel_loop3A_206 = arith.constant 0 : i32
        %parallel_loop3A_207 = arith.index_cast %select_n3A_63 : i32 to index
        %parallel_loop3A_208 = arith.index_cast %parallel_loop3A_205 : i32 to index
        %parallel_loop3A_209 = arith.index_cast %parallel_loop3A_206 : i32 to index
        %parallel_loop3A_210 = arith.index_cast %parallel_loop3A_87 : i32 to index
        %parallel_loop3A_211 = tpu.vector_load %arg9[%parallel_loop3A_207, %parallel_loop3A_208, %parallel_loop3A_209, %parallel_loop3A_210] {strides = array<i32>} : memref<2x32x1x256xf32, #tpu.memory_space<vmem>>, vector<16xf32>,
        tpu.vector_store %arg9[%parallel_loop3A_207, %parallel_loop3A_208, %parallel_loop3A_209, %parallel_loop3A_210], %parallel_loop3A_204 {strides = array<i32>} : memref<2x32x1x256xf32, #tpu.memory_space<vmem>>, vector<16xf32>,
        %parallel_loop3A_212 = arith.constant 9610 : i32
        %parallel_loop3A_213 = vector.broadcast %parallel_loop3A_212 : i32 to vector<16xi32>
        %parallel_loop3A_214 = arith.addi %parallel_loop3A_101, %parallel_loop3A_213 : vector<16xi32>
        %parallel_loop3A_215 = tpu.vector_load_idx %arg6[%parallel_loop3A_214] : memref<30752xf32, #tpu.memory_space<vmem>>[vector<16xi32>], vector<16xf32>,
        %parallel_loop3A_216 = arith.constant 10 : i32
        %parallel_loop3A_217 = arith.constant 0 : i32
        %parallel_loop3A_218 = arith.index_cast %select_n3A_63 : i32 to index
        %parallel_loop3A_219 = arith.index_cast %parallel_loop3A_216 : i32 to index
        %parallel_loop3A_220 = arith.index_cast %parallel_loop3A_217 : i32 to index
        %parallel_loop3A_221 = arith.index_cast %parallel_loop3A_87 : i32 to index
        %parallel_loop3A_222 = tpu.vector_load %arg9[%parallel_loop3A_218, %parallel_loop3A_219, %parallel_loop3A_220, %parallel_loop3A_221] {strides = array<i32>} : memref<2x32x1x256xf32, #tpu.memory_space<vmem>>, vector<16xf32>,
        tpu.vector_store %arg9[%parallel_loop3A_218, %parallel_loop3A_219, %parallel_loop3A_220, %parallel_loop3A_221], %parallel_loop3A_215 {strides = array<i32>} : memref<2x32x1x256xf32, #tpu.memory_space<vmem>>, vector<16xf32>,
        %parallel_loop3A_223 = arith.constant 10571 : i32
        %parallel_loop3A_224 = vector.broadcast %parallel_loop3A_223 : i32 to vector<16xi32>
        %parallel_loop3A_225 = arith.addi %parallel_loop3A_101, %parallel_loop3A_224 : vector<16xi32>
        %parallel_loop3A_226 = tpu.vector_load_idx %arg6[%parallel_loop3A_225] : memref<30752xf32, #tpu.memory_space<vmem>>[vector<16xi32>], vector<16xf32>,
        %parallel_loop3A_227 = arith.constant 11 : i32
        %parallel_loop3A_228 = arith.constant 0 : i32
        %parallel_loop3A_229 = arith.index_cast %select_n3A_63 : i32 to index
        %parallel_loop3A_230 = arith.index_cast %parallel_loop3A_227 : i32 to index
        %parallel_loop3A_231 = arith.index_cast %parallel_loop3A_228 : i32 to index
        %parallel_loop3A_232 = arith.index_cast %parallel_loop3A_87 : i32 to index
        %parallel_loop3A_233 = tpu.vector_load %arg9[%parallel_loop3A_229, %parallel_loop3A_230, %parallel_loop3A_231, %parallel_loop3A_232] {strides = array<i32>} : memref<2x32x1x256xf32, #tpu.memory_space<vmem>>, vector<16xf32>,
        tpu.vector_store %arg9[%parallel_loop3A_229, %parallel_loop3A_230, %parallel_loop3A_231, %parallel_loop3A_232], %parallel_loop3A_226 {strides = array<i32>} : memref<2x32x1x256xf32, #tpu.memory_space<vmem>>, vector<16xf32>,
        %parallel_loop3A_234 = arith.constant 11532 : i32
        %parallel_loop3A_235 = vector.broadcast %parallel_loop3A_234 : i32 to vector<16xi32>
        %parallel_loop3A_236 = arith.addi %parallel_loop3A_101, %parallel_loop3A_235 : vector<16xi32>
        %parallel_loop3A_237 = tpu.vector_load_idx %arg6[%parallel_loop3A_236] : memref<30752xf32, #tpu.memory_space<vmem>>[vector<16xi32>], vector<16xf32>,
        %parallel_loop3A_238 = arith.constant 12 : i32
        %parallel_loop3A_239 = arith.constant 0 : i32
        %parallel_loop3A_240 = arith.index_cast %select_n3A_63 : i32 to index
        %parallel_loop3A_241 = arith.index_cast %parallel_loop3A_238 : i32 to index
        %parallel_loop3A_242 = arith.index_cast %parallel_loop3A_239 : i32 to index
        %parallel_loop3A_243 = arith.index_cast %parallel_loop3A_87 : i32 to index
        %parallel_loop3A_244 = tpu.vector_load %arg9[%parallel_loop3A_240, %parallel_loop3A_241, %parallel_loop3A_242, %parallel_loop3A_243] {strides = array<i32>} : memref<2x32x1x256xf32, #tpu.memory_space<vmem>>, vector<16xf32>,
        tpu.vector_store %arg9[%parallel_loop3A_240, %parallel_loop3A_241, %parallel_loop3A_242, %parallel_loop3A_243], %parallel_loop3A_237 {strides = array<i32>} : memref<2x32x1x256xf32, #tpu.memory_space<vmem>>, vector<16xf32>,
        %parallel_loop3A_245 = arith.constant 12493 : i32
        %parallel_loop3A_246 = vector.broadcast %parallel_loop3A_245 : i32 to vector<16xi32>
        %parallel_loop3A_247 = arith.addi %parallel_loop3A_101, %parallel_loop3A_246 : vector<16xi32>
        %parallel_loop3A_248 = tpu.vector_load_idx %arg6[%parallel_loop3A_247] : memref<30752xf32, #tpu.memory_space<vmem>>[vector<16xi32>], vector<16xf32>,
        %parallel_loop3A_249 = arith.constant 13 : i32
        %parallel_loop3A_250 = arith.constant 0 : i32
        %parallel_loop3A_251 = arith.index_cast %select_n3A_63 : i32 to index
        %parallel_loop3A_252 = arith.index_cast %parallel_loop3A_249 : i32 to index
        %parallel_loop3A_253 = arith.index_cast %parallel_loop3A_250 : i32 to index
        %parallel_loop3A_254 = arith.index_cast %parallel_loop3A_87 : i32 to index
        %parallel_loop3A_255 = tpu.vector_load %arg9[%parallel_loop3A_251, %parallel_loop3A_252, %parallel_loop3A_253, %parallel_loop3A_254] {strides = array<i32>} : memref<2x32x1x256xf32, #tpu.memory_space<vmem>>, vector<16xf32>,
        tpu.vector_store %arg9[%parallel_loop3A_251, %parallel_loop3A_252, %parallel_loop3A_253, %parallel_loop3A_254], %parallel_loop3A_248 {strides = array<i32>} : memref<2x32x1x256xf32, #tpu.memory_space<vmem>>, vector<16xf32>,
        %parallel_loop3A_256 = arith.constant 13454 : i32
        %parallel_loop3A_257 = vector.broadcast %parallel_loop3A_256 : i32 to vector<16xi32>
        %parallel_loop3A_258 = arith.addi %parallel_loop3A_101, %parallel_loop3A_257 : vector<16xi32>
        %parallel_loop3A_259 = tpu.vector_load_idx %arg6[%parallel_loop3A_258] : memref<30752xf32, #tpu.memory_space<vmem>>[vector<16xi32>], vector<16xf32>,
        %parallel_loop3A_260 = arith.constant 14 : i32
        %parallel_loop3A_261 = arith.constant 0 : i32
        %parallel_loop3A_262 = arith.index_cast %select_n3A_63 : i32 to index
        %parallel_loop3A_263 = arith.index_cast %parallel_loop3A_260 : i32 to index
        %parallel_loop3A_264 = arith.index_cast %parallel_loop3A_261 : i32 to index
        %parallel_loop3A_265 = arith.index_cast %parallel_loop3A_87 : i32 to index
        %parallel_loop3A_266 = tpu.vector_load %arg9[%parallel_loop3A_262, %parallel_loop3A_263, %parallel_loop3A_264, %parallel_loop3A_265] {strides = array<i32>} : memref<2x32x1x256xf32, #tpu.memory_space<vmem>>, vector<16xf32>,
        tpu.vector_store %arg9[%parallel_loop3A_262, %parallel_loop3A_263, %parallel_loop3A_264, %parallel_loop3A_265], %parallel_loop3A_259 {strides = array<i32>} : memref<2x32x1x256xf32, #tpu.memory_space<vmem>>, vector<16xf32>,
        %parallel_loop3A_267 = arith.constant 14415 : i32
        %parallel_loop3A_268 = vector.broadcast %parallel_loop3A_267 : i32 to vector<16xi32>
        %parallel_loop3A_269 = arith.addi %parallel_loop3A_101, %parallel_loop3A_268 : vector<16xi32>
        %parallel_loop3A_270 = tpu.vector_load_idx %arg6[%parallel_loop3A_269] : memref<30752xf32, #tpu.memory_space<vmem>>[vector<16xi32>], vector<16xf32>,
        %parallel_loop3A_271 = arith.constant 15 : i32
        %parallel_loop3A_272 = arith.constant 0 : i32
        %parallel_loop3A_273 = arith.index_cast %select_n3A_63 : i32 to index
        %parallel_loop3A_274 = arith.index_cast %parallel_loop3A_271 : i32 to index
        %parallel_loop3A_275 = arith.index_cast %parallel_loop3A_272 : i32 to index
        %parallel_loop3A_276 = arith.index_cast %parallel_loop3A_87 : i32 to index
        %parallel_loop3A_277 = tpu.vector_load %arg9[%parallel_loop3A_273, %parallel_loop3A_274, %parallel_loop3A_275, %parallel_loop3A_276] {strides = array<i32>} : memref<2x32x1x256xf32, #tpu.memory_space<vmem>>, vector<16xf32>,
        tpu.vector_store %arg9[%parallel_loop3A_273, %parallel_loop3A_274, %parallel_loop3A_275, %parallel_loop3A_276], %parallel_loop3A_270 {strides = array<i32>} : memref<2x32x1x256xf32, #tpu.memory_space<vmem>>, vector<16xf32>,
        %parallel_loop3A_278 = arith.constant 15376 : i32
        %parallel_loop3A_279 = vector.broadcast %parallel_loop3A_278 : i32 to vector<16xi32>
        %parallel_loop3A_280 = arith.addi %parallel_loop3A_101, %parallel_loop3A_279 : vector<16xi32>
        %parallel_loop3A_281 = tpu.vector_load_idx %arg6[%parallel_loop3A_280] : memref<30752xf32, #tpu.memory_space<vmem>>[vector<16xi32>], vector<16xf32>,
        %parallel_loop3A_282 = arith.constant 16 : i32
        %parallel_loop3A_283 = arith.constant 0 : i32
        %parallel_loop3A_284 = arith.index_cast %select_n3A_63 : i32 to index
        %parallel_loop3A_285 = arith.index_cast %parallel_loop3A_282 : i32 to index
        %parallel_loop3A_286 = arith.index_cast %parallel_loop3A_283 : i32 to index
        %parallel_loop3A_287 = arith.index_cast %parallel_loop3A_87 : i32 to index
        %parallel_loop3A_288 = tpu.vector_load %arg9[%parallel_loop3A_284, %parallel_loop3A_285, %parallel_loop3A_286, %parallel_loop3A_287] {strides = array<i32>} : memref<2x32x1x256xf32, #tpu.memory_space<vmem>>, vector<16xf32>,
        tpu.vector_store %arg9[%parallel_loop3A_284, %parallel_loop3A_285, %parallel_loop3A_286, %parallel_loop3A_287], %parallel_loop3A_281 {strides = array<i32>} : memref<2x32x1x256xf32, #tpu.memory_space<vmem>>, vector<16xf32>,
        %parallel_loop3A_289 = arith.constant 16337 : i32
        %parallel_loop3A_290 = vector.broadcast %parallel_loop3A_289 : i32 to vector<16xi32>
        %parallel_loop3A_291 = arith.addi %parallel_loop3A_101, %parallel_loop3A_290 : vector<16xi32>
        %parallel_loop3A_292 = tpu.vector_load_idx %arg6[%parallel_loop3A_291] : memref<30752xf32, #tpu.memory_space<vmem>>[vector<16xi32>], vector<16xf32>,
        %parallel_loop3A_293 = arith.constant 17 : i32
        %parallel_loop3A_294 = arith.constant 0 : i32
        %parallel_loop3A_295 = arith.index_cast %select_n3A_63 : i32 to index
        %parallel_loop3A_296 = arith.index_cast %parallel_loop3A_293 : i32 to index
        %parallel_loop3A_297 = arith.index_cast %parallel_loop3A_294 : i32 to index
        %parallel_loop3A_298 = arith.index_cast %parallel_loop3A_87 : i32 to index
        %parallel_loop3A_299 = tpu.vector_load %arg9[%parallel_loop3A_295, %parallel_loop3A_296, %parallel_loop3A_297, %parallel_loop3A_298] {strides = array<i32>} : memref<2x32x1x256xf32, #tpu.memory_space<vmem>>, vector<16xf32>,
        tpu.vector_store %arg9[%parallel_loop3A_295, %parallel_loop3A_296, %parallel_loop3A_297, %parallel_loop3A_298], %parallel_loop3A_292 {strides = array<i32>} : memref<2x32x1x256xf32, #tpu.memory_space<vmem>>, vector<16xf32>,
        %parallel_loop3A_300 = arith.constant 17298 : i32
        %parallel_loop3A_301 = vector.broadcast %parallel_loop3A_300 : i32 to vector<16xi32>
        %parallel_loop3A_302 = arith.addi %parallel_loop3A_101, %parallel_loop3A_301 : vector<16xi32>
        %parallel_loop3A_303 = tpu.vector_load_idx %arg6[%parallel_loop3A_302] : memref<30752xf32, #tpu.memory_space<vmem>>[vector<16xi32>], vector<16xf32>,
        %parallel_loop3A_304 = arith.constant 18 : i32
        %parallel_loop3A_305 = arith.constant 0 : i32
        %parallel_loop3A_306 = arith.index_cast %select_n3A_63 : i32 to index
        %parallel_loop3A_307 = arith.index_cast %parallel_loop3A_304 : i32 to index
        %parallel_loop3A_308 = arith.index_cast %parallel_loop3A_305 : i32 to index
        %parallel_loop3A_309 = arith.index_cast %parallel_loop3A_87 : i32 to index
        %parallel_loop3A_310 = tpu.vector_load %arg9[%parallel_loop3A_306, %parallel_loop3A_307, %parallel_loop3A_308, %parallel_loop3A_309] {strides = array<i32>} : memref<2x32x1x256xf32, #tpu.memory_space<vmem>>, vector<16xf32>,
        tpu.vector_store %arg9[%parallel_loop3A_306, %parallel_loop3A_307, %parallel_loop3A_308, %parallel_loop3A_309], %parallel_loop3A_303 {strides = array<i32>} : memref<2x32x1x256xf32, #tpu.memory_space<vmem>>, vector<16xf32>,
        %parallel_loop3A_311 = arith.constant 18259 : i32
        %parallel_loop3A_312 = vector.broadcast %parallel_loop3A_311 : i32 to vector<16xi32>
        %parallel_loop3A_313 = arith.addi %parallel_loop3A_101, %parallel_loop3A_312 : vector<16xi32>
        %parallel_loop3A_314 = tpu.vector_load_idx %arg6[%parallel_loop3A_313] : memref<30752xf32, #tpu.memory_space<vmem>>[vector<16xi32>], vector<16xf32>,
        %parallel_loop3A_315 = arith.constant 19 : i32
        %parallel_loop3A_316 = arith.constant 0 : i32
        %parallel_loop3A_317 = arith.index_cast %select_n3A_63 : i32 to index
        %parallel_loop3A_318 = arith.index_cast %parallel_loop3A_315 : i32 to index
        %parallel_loop3A_319 = arith.index_cast %parallel_loop3A_316 : i32 to index
        %parallel_loop3A_320 = arith.index_cast %parallel_loop3A_87 : i32 to index
        %parallel_loop3A_321 = tpu.vector_load %arg9[%parallel_loop3A_317, %parallel_loop3A_318, %parallel_loop3A_319, %parallel_loop3A_320] {strides = array<i32>} : memref<2x32x1x256xf32, #tpu.memory_space<vmem>>, vector<16xf32>,
        tpu.vector_store %arg9[%parallel_loop3A_317, %parallel_loop3A_318, %parallel_loop3A_319, %parallel_loop3A_320], %parallel_loop3A_314 {strides = array<i32>} : memref<2x32x1x256xf32, #tpu.memory_space<vmem>>, vector<16xf32>,
        %parallel_loop3A_322 = arith.constant 19220 : i32
        %parallel_loop3A_323 = vector.broadcast %parallel_loop3A_322 : i32 to vector<16xi32>
        %parallel_loop3A_324 = arith.addi %parallel_loop3A_101, %parallel_loop3A_323 : vector<16xi32>
        %parallel_loop3A_325 = tpu.vector_load_idx %arg6[%parallel_loop3A_324] : memref<30752xf32, #tpu.memory_space<vmem>>[vector<16xi32>], vector<16xf32>,
        %parallel_loop3A_326 = arith.constant 20 : i32
        %parallel_loop3A_327 = arith.constant 0 : i32
        %parallel_loop3A_328 = arith.index_cast %select_n3A_63 : i32 to index
        %parallel_loop3A_329 = arith.index_cast %parallel_loop3A_326 : i32 to index
        %parallel_loop3A_330 = arith.index_cast %parallel_loop3A_327 : i32 to index
        %parallel_loop3A_331 = arith.index_cast %parallel_loop3A_87 : i32 to index
        %parallel_loop3A_332 = tpu.vector_load %arg9[%parallel_loop3A_328, %parallel_loop3A_329, %parallel_loop3A_330, %parallel_loop3A_331] {strides = array<i32>} : memref<2x32x1x256xf32, #tpu.memory_space<vmem>>, vector<16xf32>,
        tpu.vector_store %arg9[%parallel_loop3A_328, %parallel_loop3A_329, %parallel_loop3A_330, %parallel_loop3A_331], %parallel_loop3A_325 {strides = array<i32>} : memref<2x32x1x256xf32, #tpu.memory_space<vmem>>, vector<16xf32>,
        %parallel_loop3A_333 = arith.constant 20181 : i32
        %parallel_loop3A_334 = vector.broadcast %parallel_loop3A_333 : i32 to vector<16xi32>
        %parallel_loop3A_335 = arith.addi %parallel_loop3A_101, %parallel_loop3A_334 : vector<16xi32>
        %parallel_loop3A_336 = tpu.vector_load_idx %arg6[%parallel_loop3A_335] : memref<30752xf32, #tpu.memory_space<vmem>>[vector<16xi32>], vector<16xf32>,
        %parallel_loop3A_337 = arith.constant 21 : i32
        %parallel_loop3A_338 = arith.constant 0 : i32
        %parallel_loop3A_339 = arith.index_cast %select_n3A_63 : i32 to index
        %parallel_loop3A_340 = arith.index_cast %parallel_loop3A_337 : i32 to index
        %parallel_loop3A_341 = arith.index_cast %parallel_loop3A_338 : i32 to index
        %parallel_loop3A_342 = arith.index_cast %parallel_loop3A_87 : i32 to index
        %parallel_loop3A_343 = tpu.vector_load %arg9[%parallel_loop3A_339, %parallel_loop3A_340, %parallel_loop3A_341, %parallel_loop3A_342] {strides = array<i32>} : memref<2x32x1x256xf32, #tpu.memory_space<vmem>>, vector<16xf32>,
        tpu.vector_store %arg9[%parallel_loop3A_339, %parallel_loop3A_340, %parallel_loop3A_341, %parallel_loop3A_342], %parallel_loop3A_336 {strides = array<i32>} : memref<2x32x1x256xf32, #tpu.memory_space<vmem>>, vector<16xf32>,
        %parallel_loop3A_344 = arith.constant 21142 : i32
        %parallel_loop3A_345 = vector.broadcast %parallel_loop3A_344 : i32 to vector<16xi32>
        %parallel_loop3A_346 = arith.addi %parallel_loop3A_101, %parallel_loop3A_345 : vector<16xi32>
        %parallel_loop3A_347 = tpu.vector_load_idx %arg6[%parallel_loop3A_346] : memref<30752xf32, #tpu.memory_space<vmem>>[vector<16xi32>], vector<16xf32>,
        %parallel_loop3A_348 = arith.constant 22 : i32
        %parallel_loop3A_349 = arith.constant 0 : i32
        %parallel_loop3A_350 = arith.index_cast %select_n3A_63 : i32 to index
        %parallel_loop3A_351 = arith.index_cast %parallel_loop3A_348 : i32 to index
        %parallel_loop3A_352 = arith.index_cast %parallel_loop3A_349 : i32 to index
        %parallel_loop3A_353 = arith.index_cast %parallel_loop3A_87 : i32 to index
        %parallel_loop3A_354 = tpu.vector_load %arg9[%parallel_loop3A_350, %parallel_loop3A_351, %parallel_loop3A_352, %parallel_loop3A_353] {strides = array<i32>} : memref<2x32x1x256xf32, #tpu.memory_space<vmem>>, vector<16xf32>,
        tpu.vector_store %arg9[%parallel_loop3A_350, %parallel_loop3A_351, %parallel_loop3A_352, %parallel_loop3A_353], %parallel_loop3A_347 {strides = array<i32>} : memref<2x32x1x256xf32, #tpu.memory_space<vmem>>, vector<16xf32>,
        %parallel_loop3A_355 = arith.constant 22103 : i32
        %parallel_loop3A_356 = vector.broadcast %parallel_loop3A_355 : i32 to vector<16xi32>
        %parallel_loop3A_357 = arith.addi %parallel_loop3A_101, %parallel_loop3A_356 : vector<16xi32>
        %parallel_loop3A_358 = tpu.vector_load_idx %arg6[%parallel_loop3A_357] : memref<30752xf32, #tpu.memory_space<vmem>>[vector<16xi32>], vector<16xf32>,
        %parallel_loop3A_359 = arith.constant 23 : i32
        %parallel_loop3A_360 = arith.constant 0 : i32
        %parallel_loop3A_361 = arith.index_cast %select_n3A_63 : i32 to index
        %parallel_loop3A_362 = arith.index_cast %parallel_loop3A_359 : i32 to index
        %parallel_loop3A_363 = arith.index_cast %parallel_loop3A_360 : i32 to index
        %parallel_loop3A_364 = arith.index_cast %parallel_loop3A_87 : i32 to index
        %parallel_loop3A_365 = tpu.vector_load %arg9[%parallel_loop3A_361, %parallel_loop3A_362, %parallel_loop3A_363, %parallel_loop3A_364] {strides = array<i32>} : memref<2x32x1x256xf32, #tpu.memory_space<vmem>>, vector<16xf32>,
        tpu.vector_store %arg9[%parallel_loop3A_361, %parallel_loop3A_362, %parallel_loop3A_363, %parallel_loop3A_364], %parallel_loop3A_358 {strides = array<i32>} : memref<2x32x1x256xf32, #tpu.memory_space<vmem>>, vector<16xf32>,
        %parallel_loop3A_366 = arith.constant 23064 : i32
        %parallel_loop3A_367 = vector.broadcast %parallel_loop3A_366 : i32 to vector<16xi32>
        %parallel_loop3A_368 = arith.addi %parallel_loop3A_101, %parallel_loop3A_367 : vector<16xi32>
        %parallel_loop3A_369 = tpu.vector_load_idx %arg6[%parallel_loop3A_368] : memref<30752xf32, #tpu.memory_space<vmem>>[vector<16xi32>], vector<16xf32>,
        %parallel_loop3A_370 = arith.constant 24 : i32
        %parallel_loop3A_371 = arith.constant 0 : i32
        %parallel_loop3A_372 = arith.index_cast %select_n3A_63 : i32 to index
        %parallel_loop3A_373 = arith.index_cast %parallel_loop3A_370 : i32 to index
        %parallel_loop3A_374 = arith.index_cast %parallel_loop3A_371 : i32 to index
        %parallel_loop3A_375 = arith.index_cast %parallel_loop3A_87 : i32 to index
        %parallel_loop3A_376 = tpu.vector_load %arg9[%parallel_loop3A_372, %parallel_loop3A_373, %parallel_loop3A_374, %parallel_loop3A_375] {strides = array<i32>} : memref<2x32x1x256xf32, #tpu.memory_space<vmem>>, vector<16xf32>,
        tpu.vector_store %arg9[%parallel_loop3A_372, %parallel_loop3A_373, %parallel_loop3A_374, %parallel_loop3A_375], %parallel_loop3A_369 {strides = array<i32>} : memref<2x32x1x256xf32, #tpu.memory_space<vmem>>, vector<16xf32>,
        %parallel_loop3A_377 = arith.constant 24025 : i32
        %parallel_loop3A_378 = vector.broadcast %parallel_loop3A_377 : i32 to vector<16xi32>
        %parallel_loop3A_379 = arith.addi %parallel_loop3A_101, %parallel_loop3A_378 : vector<16xi32>
        %parallel_loop3A_380 = tpu.vector_load_idx %arg6[%parallel_loop3A_379] : memref<30752xf32, #tpu.memory_space<vmem>>[vector<16xi32>], vector<16xf32>,
        %parallel_loop3A_381 = arith.constant 25 : i32
        %parallel_loop3A_382 = arith.constant 0 : i32
        %parallel_loop3A_383 = arith.index_cast %select_n3A_63 : i32 to index
        %parallel_loop3A_384 = arith.index_cast %parallel_loop3A_381 : i32 to index
        %parallel_loop3A_385 = arith.index_cast %parallel_loop3A_382 : i32 to index
        %parallel_loop3A_386 = arith.index_cast %parallel_loop3A_87 : i32 to index
        %parallel_loop3A_387 = tpu.vector_load %arg9[%parallel_loop3A_383, %parallel_loop3A_384, %parallel_loop3A_385, %parallel_loop3A_386] {strides = array<i32>} : memref<2x32x1x256xf32, #tpu.memory_space<vmem>>, vector<16xf32>,
        tpu.vector_store %arg9[%parallel_loop3A_383, %parallel_loop3A_384, %parallel_loop3A_385, %parallel_loop3A_386], %parallel_loop3A_380 {strides = array<i32>} : memref<2x32x1x256xf32, #tpu.memory_space<vmem>>, vector<16xf32>,
        %parallel_loop3A_388 = arith.constant 24986 : i32
        %parallel_loop3A_389 = vector.broadcast %parallel_loop3A_388 : i32 to vector<16xi32>
        %parallel_loop3A_390 = arith.addi %parallel_loop3A_101, %parallel_loop3A_389 : vector<16xi32>
        %parallel_loop3A_391 = tpu.vector_load_idx %arg6[%parallel_loop3A_390] : memref<30752xf32, #tpu.memory_space<vmem>>[vector<16xi32>], vector<16xf32>,
        %parallel_loop3A_392 = arith.constant 26 : i32
        %parallel_loop3A_393 = arith.constant 0 : i32
        %parallel_loop3A_394 = arith.index_cast %select_n3A_63 : i32 to index
        %parallel_loop3A_395 = arith.index_cast %parallel_loop3A_392 : i32 to index
        %parallel_loop3A_396 = arith.index_cast %parallel_loop3A_393 : i32 to index
        %parallel_loop3A_397 = arith.index_cast %parallel_loop3A_87 : i32 to index
        %parallel_loop3A_398 = tpu.vector_load %arg9[%parallel_loop3A_394, %parallel_loop3A_395, %parallel_loop3A_396, %parallel_loop3A_397] {strides = array<i32>} : memref<2x32x1x256xf32, #tpu.memory_space<vmem>>, vector<16xf32>,
        tpu.vector_store %arg9[%parallel_loop3A_394, %parallel_loop3A_395, %parallel_loop3A_396, %parallel_loop3A_397], %parallel_loop3A_391 {strides = array<i32>} : memref<2x32x1x256xf32, #tpu.memory_space<vmem>>, vector<16xf32>,
        %parallel_loop3A_399 = arith.constant 25947 : i32
        %parallel_loop3A_400 = vector.broadcast %parallel_loop3A_399 : i32 to vector<16xi32>
        %parallel_loop3A_401 = arith.addi %parallel_loop3A_101, %parallel_loop3A_400 : vector<16xi32>
        %parallel_loop3A_402 = tpu.vector_load_idx %arg6[%parallel_loop3A_401] : memref<30752xf32, #tpu.memory_space<vmem>>[vector<16xi32>], vector<16xf32>,
        %parallel_loop3A_403 = arith.constant 27 : i32
        %parallel_loop3A_404 = arith.constant 0 : i32
        %parallel_loop3A_405 = arith.index_cast %select_n3A_63 : i32 to index
        %parallel_loop3A_406 = arith.index_cast %parallel_loop3A_403 : i32 to index
        %parallel_loop3A_407 = arith.index_cast %parallel_loop3A_404 : i32 to index
        %parallel_loop3A_408 = arith.index_cast %parallel_loop3A_87 : i32 to index
        %parallel_loop3A_409 = tpu.vector_load %arg9[%parallel_loop3A_405, %parallel_loop3A_406, %parallel_loop3A_407, %parallel_loop3A_408] {strides = array<i32>} : memref<2x32x1x256xf32, #tpu.memory_space<vmem>>, vector<16xf32>,
        tpu.vector_store %arg9[%parallel_loop3A_405, %parallel_loop3A_406, %parallel_loop3A_407, %parallel_loop3A_408], %parallel_loop3A_402 {strides = array<i32>} : memref<2x32x1x256xf32, #tpu.memory_space<vmem>>, vector<16xf32>,
        %parallel_loop3A_410 = arith.constant 26908 : i32
        %parallel_loop3A_411 = vector.broadcast %parallel_loop3A_410 : i32 to vector<16xi32>
        %parallel_loop3A_412 = arith.addi %parallel_loop3A_101, %parallel_loop3A_411 : vector<16xi32>
        %parallel_loop3A_413 = tpu.vector_load_idx %arg6[%parallel_loop3A_412] : memref<30752xf32, #tpu.memory_space<vmem>>[vector<16xi32>], vector<16xf32>,
        %parallel_loop3A_414 = arith.constant 28 : i32
        %parallel_loop3A_415 = arith.constant 0 : i32
        %parallel_loop3A_416 = arith.index_cast %select_n3A_63 : i32 to index
        %parallel_loop3A_417 = arith.index_cast %parallel_loop3A_414 : i32 to index
        %parallel_loop3A_418 = arith.index_cast %parallel_loop3A_415 : i32 to index
        %parallel_loop3A_419 = arith.index_cast %parallel_loop3A_87 : i32 to index
        %parallel_loop3A_420 = tpu.vector_load %arg9[%parallel_loop3A_416, %parallel_loop3A_417, %parallel_loop3A_418, %parallel_loop3A_419] {strides = array<i32>} : memref<2x32x1x256xf32, #tpu.memory_space<vmem>>, vector<16xf32>,
        tpu.vector_store %arg9[%parallel_loop3A_416, %parallel_loop3A_417, %parallel_loop3A_418, %parallel_loop3A_419], %parallel_loop3A_413 {strides = array<i32>} : memref<2x32x1x256xf32, #tpu.memory_space<vmem>>, vector<16xf32>,
        %parallel_loop3A_421 = arith.constant 27869 : i32
        %parallel_loop3A_422 = vector.broadcast %parallel_loop3A_421 : i32 to vector<16xi32>
        %parallel_loop3A_423 = arith.addi %parallel_loop3A_101, %parallel_loop3A_422 : vector<16xi32>
        %parallel_loop3A_424 = tpu.vector_load_idx %arg6[%parallel_loop3A_423] : memref<30752xf32, #tpu.memory_space<vmem>>[vector<16xi32>], vector<16xf32>,
        %parallel_loop3A_425 = arith.constant 29 : i32
        %parallel_loop3A_426 = arith.constant 0 : i32
        %parallel_loop3A_427 = arith.index_cast %select_n3A_63 : i32 to index
        %parallel_loop3A_428 = arith.index_cast %parallel_loop3A_425 : i32 to index
        %parallel_loop3A_429 = arith.index_cast %parallel_loop3A_426 : i32 to index
        %parallel_loop3A_430 = arith.index_cast %parallel_loop3A_87 : i32 to index
        %parallel_loop3A_431 = tpu.vector_load %arg9[%parallel_loop3A_427, %parallel_loop3A_428, %parallel_loop3A_429, %parallel_loop3A_430] {strides = array<i32>} : memref<2x32x1x256xf32, #tpu.memory_space<vmem>>, vector<16xf32>,
        tpu.vector_store %arg9[%parallel_loop3A_427, %parallel_loop3A_428, %parallel_loop3A_429, %parallel_loop3A_430], %parallel_loop3A_424 {strides = array<i32>} : memref<2x32x1x256xf32, #tpu.memory_space<vmem>>, vector<16xf32>,
        %parallel_loop3A_432 = arith.constant 28830 : i32
        %parallel_loop3A_433 = vector.broadcast %parallel_loop3A_432 : i32 to vector<16xi32>
        %parallel_loop3A_434 = arith.addi %parallel_loop3A_101, %parallel_loop3A_433 : vector<16xi32>
        %parallel_loop3A_435 = tpu.vector_load_idx %arg6[%parallel_loop3A_434] : memref<30752xf32, #tpu.memory_space<vmem>>[vector<16xi32>], vector<16xf32>,
        %parallel_loop3A_436 = arith.constant 30 : i32
        %parallel_loop3A_437 = arith.constant 0 : i32
        %parallel_loop3A_438 = arith.index_cast %select_n3A_63 : i32 to index
        %parallel_loop3A_439 = arith.index_cast %parallel_loop3A_436 : i32 to index
        %parallel_loop3A_440 = arith.index_cast %parallel_loop3A_437 : i32 to index
        %parallel_loop3A_441 = arith.index_cast %parallel_loop3A_87 : i32 to index
        %parallel_loop3A_442 = tpu.vector_load %arg9[%parallel_loop3A_438, %parallel_loop3A_439, %parallel_loop3A_440, %parallel_loop3A_441] {strides = array<i32>} : memref<2x32x1x256xf32, #tpu.memory_space<vmem>>, vector<16xf32>,
        tpu.vector_store %arg9[%parallel_loop3A_438, %parallel_loop3A_439, %parallel_loop3A_440, %parallel_loop3A_441], %parallel_loop3A_435 {strides = array<i32>} : memref<2x32x1x256xf32, #tpu.memory_space<vmem>>, vector<16xf32>,
        %parallel_loop3A_443 = arith.constant 29791 : i32
        %parallel_loop3A_444 = vector.broadcast %parallel_loop3A_443 : i32 to vector<16xi32>
        %parallel_loop3A_445 = arith.addi %parallel_loop3A_101, %parallel_loop3A_444 : vector<16xi32>
        %parallel_loop3A_446 = tpu.vector_load_idx %arg6[%parallel_loop3A_445] : memref<30752xf32, #tpu.memory_space<vmem>>[vector<16xi32>], vector<16xf32>,
        %parallel_loop3A_447 = arith.constant 31 : i32
        %parallel_loop3A_448 = arith.constant 0 : i32
        %parallel_loop3A_449 = arith.index_cast %select_n3A_63 : i32 to index
        %parallel_loop3A_450 = arith.index_cast %parallel_loop3A_447 : i32 to index
        %parallel_loop3A_451 = arith.index_cast %parallel_loop3A_448 : i32 to index
        %parallel_loop3A_452 = arith.index_cast %parallel_loop3A_87 : i32 to index
        %parallel_loop3A_453 = tpu.vector_load %arg9[%parallel_loop3A_449, %parallel_loop3A_450, %parallel_loop3A_451, %parallel_loop3A_452] {strides = array<i32>} : memref<2x32x1x256xf32, #tpu.memory_space<vmem>>, vector<16xf32>,
        tpu.vector_store %arg9[%parallel_loop3A_449, %parallel_loop3A_450, %parallel_loop3A_451, %parallel_loop3A_452], %parallel_loop3A_446 {strides = array<i32>} : memref<2x32x1x256xf32, #tpu.memory_space<vmem>>, vector<16xf32>,
      } {sc.loop_unroll_factor = 1 : i64, sc.parallel_access}
      %mul3A_68 = arith.constant 1 : i32
      %mul3A_69 = arith.muli %scan3A_54, %mul3A_68 : i32
      %add3A_70 = arith.addi %mul3A_4, %mul3A_69 : i32
      %dma_start3A_71 = arith.constant 0 : i32
      %dma_start3A_72 = arith.constant 0 : i32
      %dma_start3A_73 = arith.constant 0 : i32
      %dma_start3A_74 = tpu.memref_slice %arg9[%select_n3A_63, %dma_start3A_71, %dma_start3A_72, %dma_start3A_73] : memref<2x32x1x256xf32, #tpu.memory_space<vmem>> -> memref<1x32x1x256xf32, #tpu.memory_space<vmem>>
      %dma_start3A_75 = tpu.memref_squeeze %dma_start3A_74 : memref<1x32x1x256xf32, #tpu.memory_space<vmem>> -> memref<32x1x256xf32, #tpu.memory_space<vmem>>
      %dma_start3A_76 = arith.constant 0 : i32
      %dma_start3A_77 = arith.constant 0 : i32
      %dma_start3A_78 = tpu.memref_slice %arg5[%dma_start3A_76, %add3A_70, %dma_start3A_77] : memref<32x256x256xf32, #tpu.memory_space<hbm>> -> memref<32x1x256xf32, #tpu.memory_space<hbm>>
      %dma_start3A_79 = arith.constant 0 : i32
      %dma_start3A_80 = arith.constant 0 : i32
      %dma_start3A_81 = tpu.memref_slice %arg5[%dma_start3A_79, %add3A_70, %dma_start3A_80] : memref<32x256x256xf32, #tpu.memory_space<hbm>> -> memref<32x1x256xf32, #tpu.memory_space<hbm>>
      %dma_start3A_82 = arith.constant 0 : i32
      %dma_start3A_83 = arith.constant 0 : i32
      %dma_start3A_84 = arith.constant 0 : i32
      %dma_start3A_85 = tpu.memref_slice %arg9[%select_n3A_63, %dma_start3A_82, %dma_start3A_83, %dma_start3A_84] : memref<2x32x1x256xf32, #tpu.memory_space<vmem>> -> memref<1x32x1x256xf32, #tpu.memory_space<vmem>>
      %dma_start3A_86 = tpu.memref_squeeze %dma_start3A_85 : memref<1x32x1x256xf32, #tpu.memory_space<vmem>> -> memref<32x1x256xf32, #tpu.memory_space<vmem>>
      tpu.enqueue_dma source(%dma_start3A_86 : memref<32x1x256xf32, #tpu.memory_space<vmem>>) target(%dma_start3A_81 : memref<32x1x256xf32, #tpu.memory_space<hbm>>) target_semaphore(%arg13 : memref<!tpu.dma_semaphore, #tpu.memory_space<semaphore_mem>>)
    }
    %scan3A_15 = arith.constant 8 : i32
    %dma_wait3A_16 = arith.constant 0 : i32
    %dma_wait3A_17 = arith.constant 0 : i32
    %dma_wait3A_18 = arith.constant 0 : i32
    %dma_wait3A_19 = arith.constant 0 : i32
    %dma_wait3A_20 = tpu.memref_slice %arg9[%dma_wait3A_16, %dma_wait3A_17, %dma_wait3A_18, %dma_wait3A_19] : memref<2x32x1x256xf32, #tpu.memory_space<vmem>> -> memref<1x32x1x256xf32, #tpu.memory_space<vmem>>
    %dma_wait3A_21 = tpu.memref_squeeze %dma_wait3A_20 : memref<1x32x1x256xf32, #tpu.memory_space<vmem>> -> memref<32x1x256xf32, #tpu.memory_space<vmem>>
    %dma_wait3A_22 = arith.constant 0 : i32
    %dma_wait3A_23 = arith.constant 0 : i32
    %dma_wait3A_24 = arith.constant 0 : i32
    %dma_wait3A_25 = tpu.memref_slice %arg5[%dma_wait3A_22, %dma_wait3A_23, %dma_wait3A_24] : memref<32x256x256xf32, #tpu.memory_space<hbm>> -> memref<32x1x256xf32, #tpu.memory_space<hbm>>
    %dma_wait3A_26 = arith.constant 0 : i32
    %dma_wait3A_27 = arith.constant 0 : i32
    %dma_wait3A_28 = arith.constant 0 : i32
    %dma_wait3A_29 = tpu.memref_slice %arg9[%dma_wait3A_16, %dma_wait3A_26, %dma_wait3A_27, %dma_wait3A_28] : memref<2x32x1x256xf32, #tpu.memory_space<vmem>> -> memref<1x32x1x256xf32, #tpu.memory_space<vmem>>
    %dma_wait3A_30 = tpu.memref_squeeze %dma_wait3A_29 : memref<1x32x1x256xf32, #tpu.memory_space<vmem>> -> memref<32x1x256xf32, #tpu.memory_space<vmem>>
    %dma_wait3A_31 = arith.constant 0 : i32
    %dma_wait3A_32 = arith.constant 0 : i32
    %dma_wait3A_33 = arith.constant 0 : i32
    %dma_wait3A_34 = tpu.memref_slice %arg5[%dma_wait3A_31, %dma_wait3A_32, %dma_wait3A_33] : memref<32x256x256xf32, #tpu.memory_space<hbm>> -> memref<32x1x256xf32, #tpu.memory_space<hbm>>
    tpu.wait_dma2 semaphore(%arg13 : memref<!tpu.dma_semaphore, #tpu.memory_space<semaphore_mem>>) src(%dma_wait3A_34 : memref<32x1x256xf32, #tpu.memory_space<hbm>>) dst(%dma_wait3A_30 : memref<32x1x256xf32, #tpu.memory_space<vmem>>)
    %dma_wait3A_35 = arith.constant 1 : i32
    %dma_wait3A_36 = arith.constant 0 : i32
    %dma_wait3A_37 = arith.constant 0 : i32
    %dma_wait3A_38 = arith.constant 0 : i32
    %dma_wait3A_39 = tpu.memref_slice %arg9[%dma_wait3A_35, %dma_wait3A_36, %dma_wait3A_37, %dma_wait3A_38] : memref<2x32x1x256xf32, #tpu.memory_space<vmem>> -> memref<1x32x1x256xf32, #tpu.memory_space<vmem>>
    %dma_wait3A_40 = tpu.memref_squeeze %dma_wait3A_39 : memref<1x32x1x256xf32, #tpu.memory_space<vmem>> -> memref<32x1x256xf32, #tpu.memory_space<vmem>>
    %dma_wait3A_41 = arith.constant 0 : i32
    %dma_wait3A_42 = arith.constant 0 : i32
    %dma_wait3A_43 = arith.constant 0 : i32
    %dma_wait3A_44 = tpu.memref_slice %arg5[%dma_wait3A_41, %dma_wait3A_42, %dma_wait3A_43] : memref<32x256x256xf32, #tpu.memory_space<hbm>> -> memref<32x1x256xf32, #tpu.memory_space<hbm>>
    %dma_wait3A_45 = arith.constant 0 : i32
    %dma_wait3A_46 = arith.constant 0 : i32
    %dma_wait3A_47 = arith.constant 0 : i32
    %dma_wait3A_48 = tpu.memref_slice %arg9[%dma_wait3A_35, %dma_wait3A_45, %dma_wait3A_46, %dma_wait3A_47] : memref<2x32x1x256xf32, #tpu.memory_space<vmem>> -> memref<1x32x1x256xf32, #tpu.memory_space<vmem>>
    %dma_wait3A_49 = tpu.memref_squeeze %dma_wait3A_48 : memref<1x32x1x256xf32, #tpu.memory_space<vmem>> -> memref<32x1x256xf32, #tpu.memory_space<vmem>>
    %dma_wait3A_50 = arith.constant 0 : i32
    %dma_wait3A_51 = arith.constant 0 : i32
    %dma_wait3A_52 = arith.constant 0 : i32
    %dma_wait3A_53 = tpu.memref_slice %arg5[%dma_wait3A_50, %dma_wait3A_51, %dma_wait3A_52] : memref<32x256x256xf32, #tpu.memory_space<hbm>> -> memref<32x1x256xf32, #tpu.memory_space<hbm>>
    tpu.wait_dma2 semaphore(%arg13 : memref<!tpu.dma_semaphore, #tpu.memory_space<semaphore_mem>>) src(%dma_wait3A_53 : memref<32x1x256xf32, #tpu.memory_space<hbm>>) dst(%dma_wait3A_49 : memref<32x1x256xf32, #tpu.memory_space<vmem>>)
    return
  }
}

</mosaic_0001>

<sc_bundles>
// kernel: kernel.3.cloned.1.call-start
scs
__scs_entry_jumppad:
0x0: {  	(pc) =	sbr.rel $0x88, $3  }
0x1: {  	(tag) =	ssettag $0x0;
	lr =	simm.s32 $0x1  }
0x2: {  	[smem:$0x3F9E] =	sst lr;
	_ =	strace $0xD0000000  }
0x3: {  	_ = 	snop  }
0x4: {  	_ = 	snop  }
0x5: {  	_ = 	snop  }
0x6: {  	_ = 	snop  }
0x7: {  	_ = 	snop  }
__scs_overlays_trampoline_lowered:
0x8: {  	[smem:$0x3FAD] =	sst s0  }
0x9: {  	[smem:$0x3FAE] =	sst s1  }
0xa: {  	[smem:$0x3FAF] =	sst s2  }
0xb: {  	[smem:$0x3FB0] =	sst s3  }
0xc: {  	[smem:$0x3FB1] =	sst s4  }
0xd: {  	[smem:$0x3FB2] =	sst s5  }
0xe: {  	[smem:$0x3FB3] =	sst s6  }
0xf: {  	[smem:$0x3FB4] =	sst s7  }
0x10: {  	[smem:$0x3FB5] =	sst s8  }
0x11: {  	[smem:$0x3FB6] =	sst s9;
	s0 =	simm.s32 @!p0 $0x0  }
0x12: {  	s1 =	sld [smem:$0x3F9C];
	s0 =	simm.s32 @p0 $0x1  }
0x13: {  	[smem:$0x3FB7] =	sst s0;
	s0 =	simm.s32 @!p1 $0x0  }
0x14: {  	s2 =	sld [smem:$0x3F9B];
	s0 =	simm.s32 @p1 $0x1  }
0x15: {  	[smem:$0x3FB8] =	sst s0;
	s0 =	simm.s32 @!p2 $0x0  }
0x16: {  	s3 =	sld [smem:$0x3FDB];
	s0 =	simm.s32 @p2 $0x1  }
0x17: {  	s4 =	simm.s32 $0x1BF5;
	[smem:$0x3FBA] =	sst s0  }
0x18: {  	s0 =	sld [smem:$0x3F9D];
	_ =	swait.ge [sflag:s4], $0x0  }
0x19: {  	s7 =	sld [smem:$0x3F9E]  }
0x1a: {  	s8 =	sadd.s32 $0xFFFFE003, lr  }
0x1b: {  	s9 =	sadd.s32 $0xFFFFFEF7, lr;
	s5 =	simm.s32 $0xFFFFFFFF;
	p2 =	slt.u32 s8, $0xFFFFF086  }
0x1c: {  	p1 =	slt.u32 s9, $0xF7A;
	s5 =	simm.s32 @!p2 $0x0  }
0x1d: {  	s5 =	simm.s32 @p1 $0x1;
	p0 =	seq.s32 s7, s2  }
0x1e: {  	s7 =	smul.u32 @!p0 $0xF7A, s2;
	p2 =	seq.s32 @!p0 s5, $0x0  }
0x1f: {  	s9 =	smul.u32 $0xF7A, s1;
	s8 =	simm.s32 @!p0 $0x1BF5;
	p2 =	por !p2, p0  }
0x20: {  	[sflag:s8] =	ssyncset.s32 @!p0 $0xFFFFF086;
	s6 =	sadd.s32 @!p0 s3, s7;
	s7 =	simm.s32 @!p0 $0x108  }
0x21: {  	s3 =	sadd.s32 s3, s9;
	s6 =	sadd.s32 @!p0 $0x88, s6;
	s7 =	simm.s32 @p2 $0x1082  }
0x22: {  	[simem:s7], [sflag:s8] =	dma.local @!p0 [hbm:s6], $0xF7A  }
0x23: {  	s9 =	sor.u32 $0xD0000000, s2;
	s6 =	simm.s32 $0x108;
	_ =	swait.ge @!p0 [sflag:s8], $0x0  }
0x24: {  	s3 =	sadd.s32 $0x88, s3;
	s6 =	simm.s32 @!p1 $0x1082;
	[sflag:s4] =	ssyncset.s32 $0xFFFFF086  }
0x25: {  	[simem:s6], [sflag:s4] =	dma.local [hbm:s3], $0xF7A  }
0x26: {  	[smem:$0x3F9E] =	sst s1;
	(tag) =	ssettag s2;
	_ =	strace s9  }
0x27: {  	s1 =	sld [smem:$0x3FAE]  }
0x28: {  	s2 =	sld [smem:$0x3FAF]  }
0x29: {  	s4 =	sld [smem:$0x3FB1]  }
0x2a: {  	p0 =	seq.s32 s5, $0x0;
	s5 =	sld [smem:$0x3FB2]  }
0x2b: {  	s6 =	sld [smem:$0x3FB3]  }
0x2c: {  	s7 =	sld [smem:$0x3FB4]  }
0x2d: {  	s3 =	simm.s32 $0x108;
	s8 =	sld [smem:$0x3FB5]  }
0x2e: {  	s3 =	simm.s32 @!p0 $0x1082;
	s9 =	sld [smem:$0x3FB6]  }
0x2f: {  	lr =	sadd.s32 s0, s3;
	s0 =	sld [smem:$0x3FAD]  }
0x30: {  	s3 =	sld [smem:$0x3FB0]  }
0x31: {  	[smem:$0x3FB9] =	sst s10  }
0x32: {  	s10 =	sld [smem:$0x3FB7];
	_ =	sdelay $0x3  }
0x33: {  	p0 =	seq.s32 s10, $0x1;
	s10 =	sld [smem:$0x3FB9];
	_ =	sdelay $0x3  }
0x34: {  	[smem:$0x3FB9] =	sst s10  }
0x35: {  	s10 =	sld [smem:$0x3FB8];
	_ =	sdelay $0x3  }
0x36: {  	p1 =	seq.s32 s10, $0x1;
	s10 =	sld [smem:$0x3FB9];
	_ =	sdelay $0x3  }
0x37: {  	[smem:$0x3FB9] =	sst s10  }
0x38: {  	s10 =	sld [smem:$0x3FBA]  }
0x39: {  	_ = 	snop;
	(pc) =	sbr.ind lr, $3  }
0x3a: {  	_ = 	snop  }
0x3b: {  	_ = 	snop  }
0x3c: {  	p2 =	seq.s32 s10, $0x1;
	s10 =	sld [smem:$0x3FB9]  }
0x3d: {  	_ =	shalt  }
0x3e: {  	_ =	shalt  }
0x3f: {  	_ =	shalt  }
0x40: {  	_ =	shalt  }
0x41: {  	_ =	shalt  }
0x42: {  	_ =	shalt  }
0x43: {  	_ =	shalt  }
0x44: {  	_ =	shalt  }
0x45: {  	_ =	shalt  }
0x46: {  	_ =	shalt  }
0x47: {  	_ =	shalt  }
0x48: {  	_ =	shalt  }
0x49: {  	_ =	shalt  }
0x4a: {  	_ =	shalt  }
0x4b: {  	_ =	shalt  }
0x4c: {  	_ =	shalt  }
0x4d: {  	_ =	shalt  }
0x4e: {  	_ =	shalt  }
0x4f: {  	_ =	shalt  }
0x50: {  	_ =	shalt  }
0x51: {  	_ =	shalt  }
0x52: {  	_ =	shalt  }
0x53: {  	_ =	shalt  }
0x54: {  	_ =	shalt  }
0x55: {  	_ =	shalt  }
0x56: {  	_ =	shalt  }
0x57: {  	_ =	shalt  }
0x58: {  	_ =	shalt  }
0x59: {  	_ =	shalt  }
0x5a: {  	_ =	shalt  }
0x5b: {  	_ =	shalt  }
0x5c: {  	_ =	shalt  }
0x5d: {  	_ =	shalt  }
0x5e: {  	_ =	shalt  }
0x5f: {  	_ =	shalt  }
0x60: {  	_ =	shalt  }
0x61: {  	_ =	shalt  }
0x62: {  	_ =	shalt  }
0x63: {  	_ =	shalt  }
0x64: {  	_ =	shalt  }
0x65: {  	_ =	shalt  }
0x66: {  	_ =	shalt  }
0x67: {  	_ =	shalt  }
0x68: {  	_ =	shalt  }
0x69: {  	_ =	shalt  }
0x6a: {  	_ =	shalt  }
0x6b: {  	_ =	shalt  }
0x6c: {  	_ =	shalt  }
0x6d: {  	_ =	shalt  }
0x6e: {  	_ =	shalt  }
0x6f: {  	_ =	shalt  }
0x70: {  	_ =	shalt  }
0x71: {  	_ =	shalt  }
0x72: {  	_ =	shalt  }
0x73: {  	_ =	shalt  }
0x74: {  	_ =	shalt  }
0x75: {  	_ =	shalt  }
0x76: {  	_ =	shalt  }
0x77: {  	_ =	shalt  }
0x78: {  	_ =	shalt  }
0x79: {  	_ =	shalt  }
0x7a: {  	_ =	shalt  }
0x7b: {  	_ =	shalt  }
0x7c: {  	_ =	shalt  }
0x7d: {  	_ =	shalt  }
0x7e: {  	_ =	shalt  }
0x7f: {  	_ =	shalt  }
0x80: {  	_ =	shalt  }
0x81: {  	_ =	shalt  }
0x82: {  	_ =	shalt  }
0x83: {  	_ =	shalt  }
0x84: {  	_ =	shalt  }
0x85: {  	_ =	shalt  }
0x86: {  	_ =	shalt  }
0x87: {  	_ =	shalt  }
.Lfunc_end0:
.L_simem_size_0:
called_computation_lowered:
.L_overlay_start_0:
0x88: {  	s2 =	sld [smem:$0x3FD9]  }
0x89: {  	s3 =	sld [smem:$0x3FFE];
	_ =	sdelay $0x1  }
0x8a: {  	s1 =	srdreg.scid  }
0x8b: {  	s0 =	sand.u32 $0x1, s1  }
0x8c: {  	s17 =	sshll.u32 s0, $0xA;
	s2 =	sadd.s32 s3, s2  }
0x8d: {  	s2 =	sadd.s32 s2, s17  }
0x8e: {  	[smem:$0x3FC5] =	sst s2  }
0x8f: {  	_ = 	snop  }
0x90: {  	s2 =	sld [smem:$0x3FC8]  }
0x91: {  	s18 =	sld [smem:$0x3FC7]  }
0x92: {  	s4 =	sld [smem:$0x3FD0];
	(tm) =	ssettm $0x1  }
0x93: {  	s5 =	sld [smem:$0x3FFB];
	_ =	sdelay $0x3  }
0x94: {  	_ =	strace s5  }
0x95: {  	s5 =	sld [smem:$0x3FFC];
	_ =	sdelay $0x3  }
0x96: {  	_ =	strace s5  }
0x97: {  	s5 =	sld [smem:$0x3FFD];
	_ =	sdelay $0x3  }
0x98: {  	_ =	strace s5  }
0x99: {  	_ =	strace $0x8FFFFFFF  }
0x9a: {  	s19 =	sld [smem:$0x3FDB];
	_ =	sdelay $0x1  }
0x9b: {  	s6 =	simm.s32 $_scs_section_size  }
0x9c: {  	s7 =	simm.s32 $_size__tile_overlayer_lowered;
	s8 =	simm.s32 $_tile_overlayer_lowered  }
0x9d: {  	s22 =	simm.s32 $0x1BFF;
	s21 =	sshll.u32 s8, $0x1;
	s5 =	sadd.s32 s6, s19  }
0x9e: {  	s9 =	simm.s32 $0x0;
	s20 =	sshll.u32 s7, $0x1;
	s7 =	sadd.s32 s21, s5  }
0x9f: {  	[timem:s9], [sflag:s22] =	dma.local [hbm:s7], s20  }
0xa0: {  	_ =	swait.ge [sflag:s22], s20  }
0xa1: {  	s6 =	ssub.s32 $0x0, s20;
	[sflag:s22] =	ssyncset.done $0x0  }
0xa2: {  	[sflag:s22] =	ssyncadd.s32 s6;
	_ =	sdelay $0x1  }
0xa3: {  	s23 =	simm.s32 $0x1B8B  }
0xa4: {  	_ =	swait.ge [sflag:s23], $0x1  }
0xa5: {  	[sflag:s23] =	ssyncset.done $0x0  }
0xa6: {  	s25 =	simm.s32 $0x1B8E;
	s24 =	sld [smem:$0x3FFE];
	[sflag:s23] =	ssyncadd.s32 $0xFFFFFFFF  }
0xa7: {  	s26 =	simm.s32 $execute0_lowered;
	[smem:$0x3FD2] =	sst s25  }
0xa8: {  	s7 =	sshll.u32 s26, $0x1;
	_ =	strace $0x80000046;
	[dreg:$0x1] =	wrdreg $0xFFFFFFFF  }
0xa9: {  	s28 =	simm.s32 $_size_execute0_lowered;
	s5 =	sadd.s32 s5, s7;
	[dreg:$0x0] =	wrdreg $0x0  }
0xaa: {  	s7 =	sshll.u32 s28, $0x1;
	[dreg:$0x2] =	wrdreg s5  }
0xab: {  	[dreg:$0x3] =	wrdreg s7  }
0xac: {  	[dreg:$0x4] =	wrdreg $0xC0  }
0xad: {  	_ =	task [dreg:s9], $0x5FFFF  }
0xae: {  	[dreg:$0x1] =	wrdreg $0xFFFFFFFF  }
0xaf: {  	[dreg:$0x0] =	wrdreg $0x60  }
0xb0: {  	[dreg:$0x2] =	wrdreg s24  }
0xb1: {  	[dreg:$0x3] =	wrdreg s2  }
0xb2: {  	[dreg:$0x4] =	wrdreg s18  }
0xb3: {  	[dreg:$0x5] =	wrdreg s4  }
0xb4: {  	[dreg:$0x6] =	wrdreg $0x9  }
0xb5: {  	_ =	task.clear_ibuf [dreg:s9], $0x7FFFF;
	_ =	strace $0x90000046  }
0xb6: {  	s29 =	simm.s32 $0x9;
	_ =	strace $0x80000048  }
0xb7: {  	_ =	swait.ge [sflag:s29], $0x1  }
0xb8: {  	[sflag:s29] =	ssyncadd.s32 $0xFFFFFFFF  }
0xb9: {  	_ =	strace $0x90000048  }
0xba: {  	_ =	sfence  }
0xbb: {  	s30 =	sld [smem:$0x0];
	_ =	sdelay $0x2  }
0xbc: {  	s31 =	sshll.u32 s1, $0xD;
	s1 =	sshrl.u32 s1, $0x2  }
0xbd: {  	s3 =	sand.u32 $0x4000, s31;
	s1 =	sadd.s32 s1, s30  }
0xbe: {  	s0 =	sor.u32 s3, s0;
	s1 =	sshll.u32 s1, $0x11  }
0xbf: {  	s0 =	sor.u32 s1, s0  }
0xc0: {  	s0 =	sadd.s32 $0x8F2B, s0  }
0xc1: {  	[sflag:s0] =	ssyncadd.remote.s32 $0x1  }
0xc2: {  	_ =	sfence.sel $0xFFFF  }
0xc3: {  	[dreg:$0x0] =	wrdreg $0xFFFFFFFF;
	(pc) =	sbr.abs _section_cstart, $3  }
0xc4: {  	[dreg:$0x1] =	wrdreg $0xFFFFFFFF  }
0xc5: {  	_ =	task.clear_ibuf [dreg:s9], $0x2FFFF;
	_ =	strace $0x9FFFFFFF  }
0xc6: {  	(tm) =	ssettm $0x7FFFFFFF  }
0xc7: {  	_ =	shalt  }
tec
execute0_lowered:
.L_overlay_start_1:
0x0: {  	(tag) =	ssettag $0x1  }
0x1: {  	s0 =	rddreg [dreg:$0x0]  }
0x2: {  	s1 =	rddreg [dreg:$0x1]  }
0x3: {  	s3 =	rddreg [dreg:$0x2]  }
0x4: {  	s4 =	rddreg [dreg:$0x3]  }
0x5: {  	s2 =	simm.s32 $0x0;
	s5 =	srdreg.scid;
	s7 =	stileid.u32  }
0x6: {  	s11 =	simm.s32 $0x80;
	[smem:$0x7FF] =	sst s2;
	s5 =	sand.u32 $0x1, s5  }
0x7: {  	s7 =	sshll.u32 s7, $0x9;
	s6 =	ssub.s32 $0x2, s5;
	s5 =	sshll.u32 s5, $0x8  }
0x8: {  	s0 =	sadd.s32 $0x400, s0;
	_ =	strace $0x80000047;
	s5 =	sor.u32 s5, s7  }
0x9: {  	[smem:$0x7FA] =	sst s0;
	s30 =	sshrl.u32 s6, $0x1;
	s1 =	sadd.s32 s1, s5  }
0xa: {  	s0 =	ssub.s32 s6, s30;
	s31 =	sadd.s32 s3, s5;
	[smem:$0x7FB] =	sst s1  }
0xb: {  	s12 =	simm.s32 $0x400;
	[smem:$0x7FC] =	sst s31;
	s0 =	smax.u32 s0, $0x1  }
0xc: {  	s6 =	sadd.s32 s4, s5;
	s3 =	simm.s32 $0x0;
	[smem:$0x7FD] =	sst s0  }
.LBB2_1:
0xd: {  	s0 =	sld [smem:$0x7FA];
	_ =	sdelay $0x1  }
0xe: {  	s26 =	sld [smem:$0x7FB]  }
0xf: {  	[tilespmem:s2], [sflag:$0x1] =	stream.linear.gather [hbm4b:s0+s2], $0x7880, $0x38;
	[tilespmem:$0xC880] =	vst v63  }
0x10: {  	s15 =	simm.s32 $0x7880;
	s28 =	sld [smem:$0x7FC]  }
0x11: {  	[tilespmem:s15], [sflag:$0x2] =	stream.linear.gather [hbm4b:s26+s2], $0x800, $0x38;
	[tilespmem:$0xC880] =	vst v63  }
0x12: {  	[smem:$0x7F9] =	sst s3;
	s16 =	simm.s32 $0x8080;
	s29 =	simm.s32 $0x2  }
0x13: {  	[tilespmem:s16], [sflag:$0x3] =	stream.linear.gather [hbm4b:s28+s2], $0x800, $0x38;
	[tilespmem:$0xC880] =	vst v63  }
0x14: {  	_ =	swait.ge [sflag:s29], $0x800  }
0x15: {  	[sflag:s29] =	ssyncset.done $0x0  }
0x16: {  	s30 =	simm.s32 $0x3;
	[sflag:s29] =	ssyncadd.s32 $0xFFFFF800  }
0x17: {  	_ =	swait.ge [sflag:s30], $0x800  }
0x18: {  	[sflag:s30] =	ssyncset.done $0x0  }
0x19: {  	s31 =	simm.s32 $0x1;
	[sflag:s30] =	ssyncadd.s32 $0xFFFFF800  }
0x1a: {  	_ =	swait.ge [sflag:s31], $0x7880  }
0x1b: {  	[sflag:s31] =	ssyncset.done $0x0  }
0x1c: {  	p0 =	por $0x0, $0x0;
	s17 =	simm.s32 $0x0;
	[sflag:s31] =	ssyncadd.s32 $0xFFFF8780  }
.LBB2_2:
0x1d: {  	s1 =	sshll.u32 s17, $0xD  }
0x1e: {  	p1 =	slt.u32 s17, $0x2;
	s1 =	sand.u32 $0x2000, s1  }
0x1f: {  	s0 =	simm.s32 @!p1 $0x4;
	s3 =	sor.u32 $0x8880, s1  }
0x20: {  	_ =	swait.ge @!p1 [sflag:s0], $0x2000;
	s24 =	sor.u32 $0x8980, s1;
	[dreg:$0x5] =	wrdreg s3  }
0x21: {  	s25 =	sor.u32 $0x8A80, s1;
	[dreg:$0x6] =	wrdreg s24  }
0x22: {  	s26 =	sor.u32 $0x8B80, s1;
	[dreg:$0x7] =	wrdreg s25  }
0x23: {  	s4 =	sor.u32 $0x8C80, s1;
	[dreg:$0x8] =	wrdreg s26  }
0x24: {  	s5 =	sor.u32 $0x8D80, s1;
	[dreg:$0x9] =	wrdreg s4  }
0x25: {  	s7 =	sor.u32 $0x8E80, s1;
	[dreg:$0xa] =	wrdreg s5  }
0x26: {  	s8 =	sor.u32 $0x8F80, s1;
	[dreg:$0xb] =	wrdreg s7  }
0x27: {  	s9 =	sor.u32 $0x9080, s1;
	[dreg:$0xc] =	wrdreg s8  }
0x28: {  	s10 =	sor.u32 $0x9180, s1;
	[dreg:$0xd] =	wrdreg s9  }
0x29: {  	s13 =	sor.u32 $0x9280, s1;
	[dreg:$0xe] =	wrdreg s10  }
0x2a: {  	s14 =	sor.u32 $0x9380, s1;
	[dreg:$0xf] =	wrdreg s13  }
0x2b: {  	s18 =	sor.u32 $0x9480, s1;
	[dreg:$0x10] =	wrdreg s14  }
0x2c: {  	s19 =	sor.u32 $0x9580, s1;
	[dreg:$0x11] =	wrdreg s18  }
0x2d: {  	s20 =	sor.u32 $0x9680, s1;
	[dreg:$0x12] =	wrdreg s19  }
0x2e: {  	s21 =	sor.u32 $0x9780, s1;
	[dreg:$0x13] =	wrdreg s20  }
0x2f: {  	s22 =	sor.u32 $0x9880, s1;
	[dreg:$0x14] =	wrdreg s21  }
0x30: {  	s23 =	sor.u32 $0x9980, s1;
	[dreg:$0x15] =	wrdreg s22  }
0x31: {  	[dreg:$0x16] =	wrdreg s23;
	s24 =	sor.u32 $0x9A80, s1  }
0x32: {  	s25 =	sor.u32 $0x9B80, s1;
	[dreg:$0x17] =	wrdreg s24  }
0x33: {  	s26 =	sor.u32 $0x9C80, s1;
	[dreg:$0x18] =	wrdreg s25  }
0x34: {  	s4 =	sor.u32 $0x9D80, s1;
	[dreg:$0x19] =	wrdreg s26  }
0x35: {  	s5 =	sor.u32 $0x9E80, s1;
	[dreg:$0x1a] =	wrdreg s4  }
0x36: {  	s7 =	sor.u32 $0x9F80, s1;
	[dreg:$0x1b] =	wrdreg s5  }
0x37: {  	s8 =	sadd.s32 $0xA080, s1;
	[dreg:$0x1c] =	wrdreg s7  }
0x38: {  	s9 =	sadd.s32 $0xA180, s1;
	[dreg:$0x1d] =	wrdreg s8  }
0x39: {  	s10 =	sadd.s32 $0xA280, s1;
	[dreg:$0x1e] =	wrdreg s9  }
0x3a: {  	s13 =	sadd.s32 $0xA380, s1;
	[dreg:$0x1f] =	wrdreg s10  }
0x3b: {  	s14 =	sadd.s32 $0xA480, s1;
	[smem:$0x7F7] =	sst s13  }
0x3c: {  	s18 =	sadd.s32 $0xA580, s1;
	[smem:$0x7F8] =	sst s14  }
0x3d: {  	s19 =	sadd.s32 $0xA680, s1;
	[smem:$0x7F4] =	sst s18  }
0x3e: {  	[sflag:s0] =	ssyncset.done @!p1 $0x0;
	s1 =	sadd.s32 $0xA780, s1;
	[smem:$0x7F5] =	sst s19  }
0x3f: {  	[sflag:s0] =	ssyncadd.s32 @!p1 $0xFFFFE000;
	[smem:$0x7F6] =	sst s1  }
0x40: {  	v0 =	vld [tilespmem:s15+$0x0];
	_ =	sdelay $0x1  }
0x41: {  	v1 =	vld [tilespmem:s16+$0x0];
	_ =	sdelay $0x2  }
0x42: {  	v0 =	vmul.u32 $0x1F, v0;
	_ =	sdelay $0x1  }
0x43: {  	v0 =	vadd.s32 v1, v0;
	_ =	sdelay $0x4  }
0x44: {  	v1 =	vld.idx.msk [tilespmem:v0+s2+$0x0], $0xffff  }
0x45: {  	s21 =	simm.s32 $0x0;
	v2 =	vadd.s32 $0x3C1, v0  }
0x46: {  	s20 =	rddreg [dreg:$0x5];
	s19 =	sand.u32 $0x80, s21  }
0x47: {  	s18 =	sand.u32 $0x70, s21;
	s0 =	sadd.s32 s19, s20  }
0x48: {  	s0 =	sadd.s32 s18, s0  }
0x49: {  	[tilespmem:s0+$0x0] =	vst v1  }
0x4a: {  	v1 =	vld.idx.msk [tilespmem:v2+s2+$0x0], $0xffff  }
0x4b: {  	v2 =	vadd.s32 $0x782, v0  }
0x4c: {  	s0 =	rddreg [dreg:$0x6]  }
0x4d: {  	s0 =	sadd.s32 s19, s0  }
0x4e: {  	s0 =	sadd.s32 s18, s0  }
0x4f: {  	[tilespmem:s0+$0x0] =	vst v1  }
0x50: {  	v1 =	vld.idx.msk [tilespmem:v2+s2+$0x0], $0xffff  }
0x51: {  	v2 =	vadd.s32 $0xB43, v0  }
0x52: {  	s0 =	rddreg [dreg:$0x7]  }
0x53: {  	s0 =	sadd.s32 s19, s0  }
0x54: {  	s0 =	sadd.s32 s18, s0  }
0x55: {  	[tilespmem:s0+$0x0] =	vst v1  }
0x56: {  	v1 =	vld.idx.msk [tilespmem:v2+s2+$0x0], $0xffff  }
0x57: {  	s22 =	sadd.s32 $0x10, s15;
	v2 =	vadd.s32 $0xF04, v0  }
0x58: {  	v3 =	vld [tilespmem:s22+$0x0];
	s0 =	rddreg [dreg:$0x8]  }
0x59: {  	s23 =	sadd.s32 $0x10, s16;
	s0 =	sadd.s32 s19, s0  }
0x5a: {  	v4 =	vld [tilespmem:s23+$0x0];
	s0 =	sadd.s32 s18, s0  }
0x5b: {  	[tilespmem:s0+$0x0] =	vst v1  }
0x5c: {  	v2 =	vld.idx.msk [tilespmem:v2+s2+$0x0], $0xffff  }
0x5d: {  	v1 =	vmul.u32 $0x1F, v3;
	v3 =	vadd.s32 $0x12C5, v0  }
0x5e: {  	s0 =	rddreg [dreg:$0x9]  }
0x5f: {  	v1 =	vadd.s32 v4, v1;
	s0 =	sadd.s32 s19, s0  }
0x60: {  	s0 =	sadd.s32 s18, s0  }
0x61: {  	[tilespmem:s0+$0x0] =	vst v2  }
0x62: {  	v2 =	vld.idx.msk [tilespmem:v3+s2+$0x0], $0xffff  }
0x63: {  	v3 =	vadd.s32 $0x1686, v0  }
0x64: {  	s0 =	rddreg [dreg:$0xa];
	v4 =	vld.idx.msk [tilespmem:v1+s2+$0x0], $0xffff  }
0x65: {  	s5 =	simm.s32 $0x10;
	v5 =	vadd.s32 $0x3C1, v1;
	s0 =	sadd.s32 s19, s0  }
0x66: {  	s4 =	rddreg [dreg:$0x5];
	s20 =	sand.u32 $0x80, s5;
	s0 =	sadd.s32 s18, s0  }
0x67: {  	s21 =	sand.u32 $0x70, s5;
	s4 =	sadd.s32 s20, s4;
	[tilespmem:s0+$0x0] =	vst v2  }
0x68: {  	s24 =	sadd.s32 s21, s4;
	v2 =	vld.idx.msk [tilespmem:v3+s2+$0x0], $0xffff  }
0x69: {  	[tilespmem:s24+$0x0] =	vst v4;
	v3 =	vadd.s32 $0x1A47, v0  }
0x6a: {  	s25 =	rddreg [dreg:$0xb];
	v4 =	vld.idx.msk [tilespmem:v5+s2+$0x0], $0xffff  }
0x6b: {  	v5 =	vadd.s32 $0x782, v1;
	s4 =	sadd.s32 s19, s25  }
0x6c: {  	s0 =	rddreg [dreg:$0x6];
	s4 =	sadd.s32 s18, s4  }
0x6d: {  	s0 =	sadd.s32 s20, s0;
	[tilespmem:s4+$0x0] =	vst v2  }
0x6e: {  	s0 =	sadd.s32 s21, s0;
	v2 =	vld.idx.msk [tilespmem:v3+s2+$0x0], $0xffff  }
0x6f: {  	[tilespmem:s0+$0x0] =	vst v4;
	v3 =	vadd.s32 $0x1E08, v0  }
0x70: {  	s4 =	rddreg [dreg:$0xc];
	v4 =	vld.idx.msk [tilespmem:v5+s2+$0x0], $0xffff  }
0x71: {  	v5 =	vadd.s32 $0xB43, v1;
	s4 =	sadd.s32 s19, s4  }
0x72: {  	s0 =	rddreg [dreg:$0x7];
	s4 =	sadd.s32 s18, s4  }
0x73: {  	s0 =	sadd.s32 s20, s0;
	[tilespmem:s4+$0x0] =	vst v2  }
0x74: {  	s0 =	sadd.s32 s21, s0;
	v2 =	vld.idx.msk [tilespmem:v3+s2+$0x0], $0xffff  }
0x75: {  	[tilespmem:s0+$0x0] =	vst v4;
	v3 =	vadd.s32 $0x21C9, v0  }
0x76: {  	s4 =	rddreg [dreg:$0xd];
	v4 =	vld.idx.msk [tilespmem:v5+s2+$0x0], $0xffff  }
0x77: {  	s0 =	sadd.s32 $0x10, s22;
	v5 =	vadd.s32 $0xF04, v1;
	s4 =	sadd.s32 s19, s4  }
0x78: {  	s1 =	sadd.s32 $0x10, s23;
	s26 =	rddreg [dreg:$0x8];
	v6 =	vld [tilespmem:s0+$0x0];
	s4 =	sadd.s32 s18, s4  }
0x79: {  	v7 =	vld [tilespmem:s1+$0x0];
	s7 =	sadd.s32 s20, s26;
	[tilespmem:s4+$0x0] =	vst v2  }
0x7a: {  	s8 =	sadd.s32 s21, s7;
	v3 =	vld.idx.msk [tilespmem:v3+s2+$0x0], $0xffff  }
0x7b: {  	[tilespmem:s8+$0x0] =	vst v4;
	v4 =	vadd.s32 $0x258A, v0  }
0x7c: {  	s9 =	rddreg [dreg:$0xe];
	v5 =	vld.idx.msk [tilespmem:v5+s2+$0x0], $0xffff  }
0x7d: {  	v2 =	vmul.u32 $0x1F, v6;
	v6 =	vadd.s32 $0x12C5, v1;
	s4 =	sadd.s32 s19, s9  }
0x7e: {  	s3 =	rddreg [dreg:$0x9];
	s4 =	sadd.s32 s18, s4  }
0x7f: {  	v2 =	vadd.s32 v7, v2;
	s3 =	sadd.s32 s20, s3;
	[tilespmem:s4+$0x0] =	vst v3  }
0x80: {  	s3 =	sadd.s32 s21, s3;
	v3 =	vld.idx.msk [tilespmem:v4+s2+$0x0], $0xffff  }
0x81: {  	[tilespmem:s3+$0x0] =	vst v5;
	v4 =	vadd.s32 $0x294B, v0  }
0x82: {  	s4 =	rddreg [dreg:$0xf];
	v5 =	vld.idx.msk [tilespmem:v6+s2+$0x0], $0xffff  }
0x83: {  	v6 =	vadd.s32 $0x1686, v1;
	s4 =	sadd.s32 s19, s4  }
0x84: {  	s3 =	rddreg [dreg:$0xa];
	v7 =	vld.idx.msk [tilespmem:v2+s2+$0x0], $0xffff;
	s4 =	sadd.s32 s18, s4  }
0x85: {  	s8 =	simm.s32 $0x20;
	v8 =	vadd.s32 $0x3C1, v2;
	s10 =	rddreg [dreg:$0x10];
	s3 =	sadd.s32 s20, s3;
	[tilespmem:s4+$0x0] =	vst v3  }
0x86: {  	s7 =	rddreg [dreg:$0x5];
	s23 =	sand.u32 $0x80, s8;
	s3 =	sadd.s32 s21, s3;
	v3 =	vld.idx.msk [tilespmem:v4+s2+$0x0], $0xffff  }
0x87: {  	s22 =	sand.u32 $0x70, s8;
	s13 =	sadd.s32 s23, s7;
	[tilespmem:s3+$0x0] =	vst v5;
	v4 =	vadd.s32 $0x2D0C, v0  }
0x88: {  	s14 =	sadd.s32 s22, s13;
	v5 =	vld.idx.msk [tilespmem:v6+s2+$0x0], $0xffff  }
0x89: {  	s25 =	sadd.s32 s19, s10;
	[tilespmem:s14+$0x0] =	vst v7;
	v6 =	vadd.s32 $0x1A47, v1  }
0x8a: {  	s3 =	sadd.s32 s18, s25;
	s24 =	rddreg [dreg:$0xb];
	v7 =	vld.idx.msk [tilespmem:v8+s2+$0x0], $0xffff  }
0x8b: {  	v8 =	vadd.s32 $0x782, v2;
	s4 =	sadd.s32 s20, s24;
	[tilespmem:s3+$0x0] =	vst v3  }
0x8c: {  	s26 =	rddreg [dreg:$0x6];
	s4 =	sadd.s32 s21, s4;
	v3 =	vld.idx.msk [tilespmem:v4+s2+$0x0], $0xffff  }
0x8d: {  	s5 =	sadd.s32 s23, s26;
	[tilespmem:s4+$0x0] =	vst v5;
	v4 =	vadd.s32 $0x30CD, v0  }
0x8e: {  	s8 =	sadd.s32 s22, s5;
	s7 =	rddreg [dreg:$0x11];
	v5 =	vld.idx.msk [tilespmem:v6+s2+$0x0], $0xffff  }
0x8f: {  	[tilespmem:s8+$0x0] =	vst v7;
	v6 =	vadd.s32 $0x1E08, v1;
	s10 =	sadd.s32 s19, s7  }
0x90: {  	s9 =	rddreg [dreg:$0xc];
	v7 =	vld.idx.msk [tilespmem:v8+s2+$0x0], $0xffff;
	s3 =	sadd.s32 s18, s10  }
0x91: {  	v8 =	vadd.s32 $0xB43, v2;
	s5 =	sadd.s32 s20, s9;
	[tilespmem:s3+$0x0] =	vst v3  }
0x92: {  	s13 =	rddreg [dreg:$0x7];
	s14 =	sadd.s32 s21, s5;
	v3 =	vld.idx.msk [tilespmem:v4+s2+$0x0], $0xffff  }
0x93: {  	s4 =	sadd.s32 s23, s13;
	[tilespmem:s14+$0x0] =	vst v5;
	v4 =	vadd.s32 $0x348E, v0  }
0x94: {  	s25 =	sadd.s32 s22, s4;
	s24 =	rddreg [dreg:$0x12];
	v5 =	vld.idx.msk [tilespmem:v6+s2+$0x0], $0xffff  }
0x95: {  	[tilespmem:s25+$0x0] =	vst v7;
	v6 =	vadd.s32 $0x21C9, v1;
	s5 =	sadd.s32 s19, s24  }
0x96: {  	s0 =	sadd.s32 $0x10, s0;
	s26 =	rddreg [dreg:$0xd];
	v7 =	vld.idx.msk [tilespmem:v8+s2+$0x0], $0xffff;
	s3 =	sadd.s32 s18, s5  }
0x97: {  	v9 =	vadd.s32 $0xF04, v2;
	v8 =	vld [tilespmem:s0+$0x0];
	s4 =	sadd.s32 s20, s26;
	[tilespmem:s3+$0x0] =	vst v3  }
0x98: {  	s1 =	sadd.s32 $0x10, s1;
	s7 =	rddreg [dreg:$0x8];
	s8 =	sadd.s32 s21, s4;
	v3 =	vld.idx.msk [tilespmem:v4+s2+$0x0], $0xffff  }
0x99: {  	s5 =	sadd.s32 s23, s7;
	[tilespmem:s8+$0x0] =	vst v5;
	v5 =	vadd.s32 $0x384F, v0;
	v4 =	vld [tilespmem:s1+$0x0]  }
0x9a: {  	s10 =	sadd.s32 s22, s5;
	s9 =	rddreg [dreg:$0x13];
	v6 =	vld.idx.msk [tilespmem:v6+s2+$0x0], $0xffff  }
0x9b: {  	[tilespmem:s10+$0x0] =	vst v7;
	v7 =	vadd.s32 $0x258A, v1;
	s14 =	sadd.s32 s19, s9  }
0x9c: {  	v8 =	vmul.u32 $0x1F, v8;
	s13 =	rddreg [dreg:$0xe];
	v9 =	vld.idx.msk [tilespmem:v9+s2+$0x0], $0xffff;
	s3 =	sadd.s32 s18, s14  }
0x9d: {  	v10 =	vadd.s32 $0x12C5, v2;
	s5 =	sadd.s32 s20, s13;
	[tilespmem:s3+$0x0] =	vst v3  }
0x9e: {  	s24 =	rddreg [dreg:$0x9];
	s25 =	sadd.s32 s21, s5;
	v3 =	vadd.s32 v4, v8;
	v5 =	vld.idx.msk [tilespmem:v5+s2+$0x0], $0xffff  }
0x9f: {  	s4 =	sadd.s32 s23, s24;
	[tilespmem:s25+$0x0] =	vst v6;
	v4 =	vadd.s32 $0x3C10, v0  }
0xa0: {  	s7 =	sadd.s32 s22, s4;
	s26 =	rddreg [dreg:$0x14];
	v6 =	vld.idx.msk [tilespmem:v7+s2+$0x0], $0xffff  }
0xa1: {  	s14 =	rddreg [dreg:$0x5];
	[tilespmem:s7+$0x0] =	vst v9;
	v7 =	vadd.s32 $0x294B, v1;
	s9 =	sadd.s32 s19, s26  }
0xa2: {  	s8 =	rddreg [dreg:$0xf];
	v8 =	vld.idx.msk [tilespmem:v10+s2+$0x0], $0xffff;
	s3 =	sadd.s32 s18, s9  }
0xa3: {  	s10 =	rddreg [dreg:$0x15];
	v10 =	vadd.s32 $0x1686, v2;
	s4 =	sadd.s32 s20, s8;
	v9 =	vld.idx.msk [tilespmem:v3+s2+$0x0], $0xffff;
	[tilespmem:s3+$0x0] =	vst v5  }
0xa4: {  	s13 =	rddreg [dreg:$0xa];
	s4 =	sadd.s32 s21, s4;
	s9 =	simm.s32 $0x30;
	v5 =	vadd.s32 $0x3C1, v3;
	v4 =	vld.idx.msk [tilespmem:v4+s2+$0x0], $0xffff  }
0xa5: {  	s26 =	rddreg [dreg:$0x10];
	s7 =	sadd.s32 s23, s13;
	s24 =	sand.u32 $0x80, s9;
	[tilespmem:s4+$0x0] =	vst v6;
	v6 =	vadd.s32 $0x3FD1, v0  }
0xa6: {  	s7 =	sadd.s32 s22, s7;
	s25 =	sand.u32 $0x70, s9;
	s3 =	sadd.s32 s24, s14;
	v7 =	vld.idx.msk [tilespmem:v7+s2+$0x0], $0xffff  }
0xa7: {  	s9 =	sadd.s32 s19, s10;
	[tilespmem:s7+$0x0] =	vst v8;
	v8 =	vadd.s32 $0x2D0C, v1;
	s3 =	sadd.s32 s25, s3  }
0xa8: {  	s4 =	sadd.s32 s18, s9;
	v10 =	vld.idx.msk [tilespmem:v10+s2+$0x0], $0xffff;
	[tilespmem:s3+$0x0] =	vst v9  }
0xa9: {  	s13 =	sadd.s32 s20, s26;
	v9 =	vadd.s32 $0x1A47, v2;
	v5 =	vld.idx.msk [tilespmem:v5+s2+$0x0], $0xffff;
	[tilespmem:s4+$0x0] =	vst v4  }
0xaa: {  	s5 =	sadd.s32 s21, s13;
	s10 =	rddreg [dreg:$0xb];
	v4 =	vld.idx.msk [tilespmem:v6+s2+$0x0], $0xffff;
	v6 =	vadd.s32 $0x782, v3  }
0xab: {  	s3 =	sadd.s32 s23, s10;
	s14 =	rddreg [dreg:$0x6];
	[tilespmem:s5+$0x0] =	vst v7;
	v7 =	vadd.s32 $0x4392, v0  }
0xac: {  	s3 =	sadd.s32 s22, s3;
	s4 =	sadd.s32 s24, s14;
	s26 =	rddreg [dreg:$0x16];
	v8 =	vld.idx.msk [tilespmem:v8+s2+$0x0], $0xffff  }
0xad: {  	[tilespmem:s3+$0x0] =	vst v10;
	s4 =	sadd.s32 s25, s4;
	s8 =	sadd.s32 s19, s26  }
0xae: {  	v10 =	vadd.s32 $0x30CD, v1;
	s5 =	rddreg [dreg:$0x11];
	v9 =	vld.idx.msk [tilespmem:v9+s2+$0x0], $0xffff;
	[tilespmem:s4+$0x0] =	vst v5;
	s4 =	sadd.s32 s18, s8  }
0xaf: {  	s5 =	sadd.s32 s20, s5;
	v5 =	vld.idx.msk [tilespmem:v6+s2+$0x0], $0xffff;
	v6 =	vadd.s32 $0x1E08, v2;
	[tilespmem:s4+$0x0] =	vst v4  }
0xb0: {  	s9 =	rddreg [dreg:$0xc];
	s5 =	sadd.s32 s21, s5;
	v4 =	vld.idx.msk [tilespmem:v7+s2+$0x0], $0xffff;
	v7 =	vadd.s32 $0xB43, v3  }
0xb1: {  	s3 =	sadd.s32 s23, s9;
	s10 =	rddreg [dreg:$0x7];
	[tilespmem:s5+$0x0] =	vst v8;
	v8 =	vadd.s32 $0x4753, v0  }
0xb2: {  	s3 =	sadd.s32 s22, s3;
	s4 =	sadd.s32 s24, s10;
	s13 =	rddreg [dreg:$0x17]  }
0xb3: {  	v10 =	vld.idx.msk [tilespmem:v10+s2+$0x0], $0xffff;
	s14 =	sadd.s32 s25, s4;
	[tilespmem:s3+$0x0] =	vst v9;
	s26 =	sadd.s32 s19, s13  }
0xb4: {  	v9 =	vadd.s32 $0x348E, v1;
	s4 =	sadd.s32 s18, s26;
	v6 =	vld.idx.msk [tilespmem:v6+s2+$0x0], $0xffff;
	[tilespmem:s14+$0x0] =	vst v5  }
0xb5: {  	s0 =	sadd.s32 $0x10, s0;
	s5 =	rddreg [dreg:$0x12];
	v5 =	vld.idx.msk [tilespmem:v7+s2+$0x0], $0xffff;
	v7 =	vadd.s32 $0x21C9, v2;
	[tilespmem:s4+$0x0] =	vst v4  }
0xb6: {  	s1 =	sadd.s32 $0x10, s1;
	v11 =	vadd.s32 $0xF04, v3;
	s5 =	sadd.s32 s20, s5;
	s7 =	rddreg [dreg:$0xd];
	v4 =	vld.idx.msk [tilespmem:v8+s2+$0x0], $0xffff  }
0xb7: {  	s5 =	sadd.s32 s21, s5;
	s3 =	sadd.s32 s23, s7;
	s8 =	rddreg [dreg:$0x8];
	v8 =	vld [tilespmem:s0+$0x0]  }
0xb8: {  	v12 =	vld [tilespmem:s1+$0x0];
	s3 =	sadd.s32 s22, s3;
	[tilespmem:s5+$0x0] =	vst v10;
	v10 =	vadd.s32 $0x4B14, v0;
	s4 =	sadd.s32 s24, s8  }
0xb9: {  	s9 =	rddreg [dreg:$0x18];
	v9 =	vld.idx.msk [tilespmem:v9+s2+$0x0], $0xffff;
	s13 =	sadd.s32 s25, s4;
	[tilespmem:s3+$0x0] =	vst v6  }
0xba: {  	s14 =	sadd.s32 s19, s9;
	v6 =	vld.idx.msk [tilespmem:v7+s2+$0x0], $0xffff;
	v7 =	vadd.s32 $0x384F, v1;
	[tilespmem:s13+$0x0] =	vst v5  }
0xbb: {  	s10 =	rddreg [dreg:$0x13];
	s8 =	sadd.s32 s18, s14;
	v5 =	vld.idx.msk [tilespmem:v11+s2+$0x0], $0xffff;
	v11 =	vadd.s32 $0x258A, v2  }
0xbc: {  	s9 =	sadd.s32 s20, s10;
	s26 =	rddreg [dreg:$0xe];
	[tilespmem:s8+$0x0] =	vst v4;
	v4 =	vmul.u32 $0x1F, v8;
	v8 =	vadd.s32 $0x12C5, v3  }
0xbd: {  	s4 =	sadd.s32 s21, s9;
	s10 =	rddreg [dreg:$0x9];
	s5 =	sadd.s32 s23, s26;
	v10 =	vld.idx.msk [tilespmem:v10+s2+$0x0], $0xffff  }
0xbe: {  	[tilespmem:s4+$0x0] =	vst v9;
	v9 =	vadd.s32 $0x4ED5, v0;
	s5 =	sadd.s32 s22, s5;
	s3 =	sadd.s32 s24, s10  }
0xbf: {  	s13 =	rddreg [dreg:$0x19];
	v4 =	vadd.s32 v12, v4;
	s3 =	sadd.s32 s25, s3;
	v7 =	vld.idx.msk [tilespmem:v7+s2+$0x0], $0xffff;
	[tilespmem:s5+$0x0] =	vst v6  }
0xc0: {  	s14 =	rddreg [dreg:$0x14];
	s4 =	sadd.s32 s19, s13;
	v6 =	vadd.s32 $0x3C10, v1;
	v11 =	vld.idx.msk [tilespmem:v11+s2+$0x0], $0xffff;
	[tilespmem:s3+$0x0] =	vst v5  }
0xc1: {  	s10 =	sadd.s32 s18, s4;
	s5 =	rddreg [dreg:$0x1a];
	v5 =	vld.idx.msk [tilespmem:v8+s2+$0x0], $0xffff;
	v8 =	vadd.s32 $0x294B, v2  }
0xc2: {  	s7 =	sadd.s32 s20, s14;
	s26 =	rddreg [dreg:$0xf];
	[tilespmem:s10+$0x0] =	vst v10;
	v10 =	vadd.s32 $0x1686, v3  }
0xc3: {  	s7 =	sadd.s32 s21, s7;
	s13 =	rddreg [dreg:$0xa];
	s8 =	sadd.s32 s23, s26;
	v9 =	vld.idx.msk [tilespmem:v9+s2+$0x0], $0xffff  }
0xc4: {  	s4 =	rddreg [dreg:$0x15];
	v12 =	vld.idx.msk [tilespmem:v4+s2+$0x0], $0xffff;
	s8 =	sadd.s32 s22, s8;
	s3 =	sadd.s32 s24, s13;
	[tilespmem:s7+$0x0] =	vst v7;
	v7 =	vadd.s32 $0x5296, v0  }
0xc5: {  	s28 =	simm.s32 $0x40;
	v13 =	vadd.s32 $0x3C1, v4;
	s9 =	rddreg [dreg:$0x10];
	s3 =	sadd.s32 s25, s3;
	v6 =	vld.idx.msk [tilespmem:v6+s2+$0x0], $0xffff;
	[tilespmem:s8+$0x0] =	vst v11  }
0xc6: {  	s14 =	rddreg [dreg:$0x5];
	s5 =	sadd.s32 s19, s5;
	s26 =	sand.u32 $0x80, s28;
	v11 =	vadd.s32 $0x3FD1, v1;
	v8 =	vld.idx.msk [tilespmem:v8+s2+$0x0], $0xffff;
	[tilespmem:s3+$0x0] =	vst v5  }
0xc7: {  	s28 =	sand.u32 $0x70, s28;
	s7 =	sadd.s32 s26, s14;
	s8 =	sadd.s32 s18, s5;
	v5 =	vld.idx.msk [tilespmem:v10+s2+$0x0], $0xffff;
	v10 =	vadd.s32 $0x2D0C, v2  }
0xc8: {  	s4 =	sadd.s32 s20, s4;
	s10 =	sadd.s32 s28, s7;
	[tilespmem:s8+$0x0] =	vst v9;
	v9 =	vadd.s32 $0x1A47, v3  }
0xc9: {  	s4 =	sadd.s32 s21, s4;
	s13 =	rddreg [dreg:$0xb];
	[tilespmem:s10+$0x0] =	vst v12;
	s8 =	sadd.s32 s23, s9;
	v7 =	vld.idx.msk [tilespmem:v7+s2+$0x0], $0xffff  }
0xca: {  	v12 =	vld.idx.msk [tilespmem:v13+s2+$0x0], $0xffff;
	s7 =	sadd.s32 s22, s8;
	s3 =	sadd.s32 s24, s13;
	[tilespmem:s4+$0x0] =	vst v6;
	v6 =	vadd.s32 $0x5657, v0  }
0xcb: {  	s14 =	rddreg [dreg:$0x1b];
	v13 =	vadd.s32 $0x782, v4;
	s3 =	sadd.s32 s25, s3;
	v11 =	vld.idx.msk [tilespmem:v11+s2+$0x0], $0xffff;
	[tilespmem:s7+$0x0] =	vst v8  }
0xcc: {  	s9 =	rddreg [dreg:$0x6];
	s5 =	sadd.s32 s19, s14;
	v8 =	vadd.s32 $0x4392, v1;
	v10 =	vld.idx.msk [tilespmem:v10+s2+$0x0], $0xffff;
	[tilespmem:s3+$0x0] =	vst v5  }
0xcd: {  	s4 =	sadd.s32 s26, s9;
	s5 =	sadd.s32 s18, s5;
	s10 =	rddreg [dreg:$0x16];
	v5 =	vld.idx.msk [tilespmem:v9+s2+$0x0], $0xffff;
	v9 =	vadd.s32 $0x30CD, v2  }
0xce: {  	s4 =	sadd.s32 s28, s4;
	s13 =	rddreg [dreg:$0x11];
	s14 =	sadd.s32 s20, s10;
	[tilespmem:s5+$0x0] =	vst v7;
	v7 =	vadd.s32 $0x1E08, v3  }
0xcf: {  	s8 =	rddreg [dreg:$0xc];
	[tilespmem:s4+$0x0] =	vst v12;
	s9 =	sadd.s32 s21, s14;
	s3 =	sadd.s32 s23, s13;
	v6 =	vld.idx.msk [tilespmem:v6+s2+$0x0], $0xffff  }
0xd0: {  	v12 =	vld.idx.msk [tilespmem:v13+s2+$0x0], $0xffff;
	s3 =	sadd.s32 s22, s3;
	s5 =	sadd.s32 s24, s8;
	[tilespmem:s9+$0x0] =	vst v11;
	v11 =	vadd.s32 $0x5A18, v0  }
0xd1: {  	v13 =	vadd.s32 $0xB43, v4;
	s10 =	rddreg [dreg:$0x1c];
	s5 =	sadd.s32 s25, s5;
	v8 =	vld.idx.msk [tilespmem:v8+s2+$0x0], $0xffff;
	[tilespmem:s3+$0x0] =	vst v10  }
0xd2: {  	s13 =	rddreg [dreg:$0x7];
	s9 =	sadd.s32 s19, s10;
	v10 =	vadd.s32 $0x4753, v1;
	v9 =	vld.idx.msk [tilespmem:v9+s2+$0x0], $0xffff;
	[tilespmem:s5+$0x0] =	vst v5  }
0xd3: {  	s4 =	sadd.s32 s26, s13;
	s14 =	rddreg [dreg:$0x17];
	s10 =	sadd.s32 s18, s9;
	v5 =	vld.idx.msk [tilespmem:v7+s2+$0x0], $0xffff;
	v7 =	vadd.s32 $0x348E, v2  }
0xd4: {  	s4 =	sadd.s32 s28, s4;
	s7 =	rddreg [dreg:$0x12];
	s13 =	sadd.s32 s20, s14;
	[tilespmem:s10+$0x0] =	vst v6  }
0xd5: {  	[tilespmem:s4+$0x0] =	vst v12;
	s5 =	sadd.s32 s21, s13;
	s10 =	sadd.s32 s23, s7;
	v6 =	vld.idx.msk [tilespmem:v11+s2+$0x0], $0xffff  }
0xd6: {  	s3 =	sadd.s32 $0x10, s1;
	s14 =	rddreg [dreg:$0xd];
	v12 =	vadd.s32 $0x21C9, v3;
	v11 =	vld.idx.msk [tilespmem:v13+s2+$0x0], $0xffff;
	s7 =	sadd.s32 s22, s10;
	[tilespmem:s5+$0x0] =	vst v8  }
0xd7: {  	s1 =	sadd.s32 $0x10, s0;
	s8 =	sadd.s32 s24, s14;
	s9 =	rddreg [dreg:$0x1d];
	v8 =	vld.idx.msk [tilespmem:v10+s2+$0x0], $0xffff;
	v10 =	vadd.s32 $0x5DD9, v0;
	[tilespmem:s7+$0x0] =	vst v9  }
0xd8: {  	v14 =	vadd.s32 $0xF04, v4;
	s13 =	rddreg [dreg:$0x8];
	s10 =	sadd.s32 s25, s8;
	s5 =	sadd.s32 s19, s9;
	v7 =	vld.idx.msk [tilespmem:v7+s2+$0x0], $0xffff  }
0xd9: {  	s4 =	sadd.s32 s26, s13;
	s14 =	rddreg [dreg:$0x18];
	s5 =	sadd.s32 s18, s5;
	v9 =	vadd.s32 $0x4B14, v1;
	[tilespmem:s10+$0x0] =	vst v5;
	v5 =	vld [tilespmem:s1+$0x0]  }
0xda: {  	v13 =	vld [tilespmem:s3+$0x0];
	s4 =	sadd.s32 s28, s4;
	s13 =	rddreg [dreg:$0x13];
	[tilespmem:s5+$0x0] =	vst v6  }
0xdb: {  	s14 =	sadd.s32 s20, s14;
	s8 =	rddreg [dreg:$0xe];
	v6 =	vld.idx.msk [tilespmem:v12+s2+$0x0], $0xffff;
	[tilespmem:s4+$0x0] =	vst v11;
	v11 =	vadd.s32 $0x384F, v2  }
0xdc: {  	s9 =	sadd.s32 s21, s14;
	s0 =	sadd.s32 s23, s13;
	v12 =	vadd.s32 $0x258A, v3;
	s10 =	rddreg [dreg:$0x1e];
	v10 =	vld.idx.msk [tilespmem:v10+s2+$0x0], $0xffff  }
0xdd: {  	s0 =	sadd.s32 s22, s0;
	s5 =	sadd.s32 s24, s8;
	s13 =	rddreg [dreg:$0x9];
	[tilespmem:s9+$0x0] =	vst v8;
	v8 =	vld.idx.msk [tilespmem:v14+s2+$0x0], $0xffff;
	v14 =	vadd.s32 $0x619A, v0  }
0xde: {  	s5 =	sadd.s32 s25, s5;
	s9 =	rddreg [dreg:$0x1f];
	s10 =	sadd.s32 s19, s10;
	[tilespmem:s0+$0x0] =	vst v7;
	v7 =	vld.idx.msk [tilespmem:v9+s2+$0x0], $0xffff;
	v5 =	vmul.u32 $0x1F, v5;
	v9 =	vadd.s32 $0x12C5, v4  }
0xdf: {  	v15 =	vadd.s32 $0x4ED5, v1;
	s4 =	sadd.s32 s26, s13;
	s14 =	rddreg [dreg:$0x19];
	s13 =	sadd.s32 s18, s10  }
0xe0: {  	s4 =	sadd.s32 s28, s4;
	s0 =	simm.s32 $0x1;
	s7 =	rddreg [dreg:$0x14];
	[tilespmem:s5+$0x0] =	vst v6;
	v6 =	vld.idx.msk [tilespmem:v11+s2+$0x0], $0xffff;
	v5 =	vadd.s32 v13, v5  }
0xe1: {  	s9 =	sadd.s32 s19, s9;
	s8 =	sadd.s32 s20, s14;
	s10 =	rddreg [dreg:$0x15];
	v11 =	vadd.s32 $0x3C10, v2;
	[tilespmem:s13+$0x0] =	vst v10;
	v10 =	vld.idx.msk [tilespmem:v12+s2+$0x0], $0xffff  }
0xe2: {  	s5 =	rddreg [dreg:$0x1a];
	s14 =	sadd.s32 s21, s8;
	s7 =	sadd.s32 s23, s7;
	[tilespmem:s4+$0x0] =	vst v8;
	v12 =	vadd.s32 $0x294B, v3;
	v8 =	vld.idx.msk [tilespmem:v14+s2+$0x0], $0xffff  }
0xe3: {  	s0 =	simm.s32 @!p0 $0x0;
	s29 =	rddreg [dreg:$0xf];
	s7 =	sadd.s32 s22, s7;
	v9 =	vld.idx.msk [tilespmem:v9+s2+$0x0], $0xffff;
	[tilespmem:s14+$0x0] =	vst v7;
	v7 =	vadd.s32 $0x655B, v0  }
0xe4: {  	s5 =	sadd.s32 s20, s5;
	s13 =	rddreg [dreg:$0x10];
	v14 =	vadd.s32 $0x1686, v4;
	s14 =	sadd.s32 s24, s29;
	v13 =	vld.idx.msk [tilespmem:v15+s2+$0x0], $0xffff  }
0xe5: {  	s4 =	simm.s32 $0x50;
	s8 =	rddreg [dreg:$0xa];
	v15 =	vld.idx.msk [tilespmem:v5+s2+$0x0], $0xffff;
	[tilespmem:s7+$0x0] =	vst v6;
	s7 =	sadd.s32 s25, s14;
	v6 =	vadd.s32 $0x5296, v1  }
0xe6: {  	v16 =	vadd.s32 $0x3C1, v5;
	s5 =	sadd.s32 s21, s5;
	s8 =	sadd.s32 s26, s8;
	s14 =	sadd.s32 s18, s9;
	v11 =	vld.idx.msk [tilespmem:v11+s2+$0x0], $0xffff;
	[tilespmem:s7+$0x0] =	vst v10  }
0xe7: {  	s29 =	rddreg [dreg:$0x5];
	s31 =	sand.u32 $0x80, s4;
	s8 =	sadd.s32 s28, s8;
	v10 =	vld.idx.msk [tilespmem:v12+s2+$0x0], $0xffff;
	v12 =	vadd.s32 $0x3FD1, v2;
	[tilespmem:s14+$0x0] =	vst v8  }
0xe8: {  	s30 =	sand.u32 $0x70, s4;
	s9 =	sadd.s32 s31, s29;
	[tilespmem:s8+$0x0] =	vst v9;
	v8 =	vadd.s32 $0x2D0C, v3;
	v7 =	vld.idx.msk [tilespmem:v7+s2+$0x0], $0xffff;
	s8 =	sld [smem:$0x7F7]  }
0xe9: {  	s0 =	sshll.u32 s0, $0xD;
	s7 =	sadd.s32 s30, s9;
	s14 =	sadd.s32 s23, s10;
	v9 =	vld.idx.msk [tilespmem:v14+s2+$0x0], $0xffff;
	[tilespmem:s5+$0x0] =	vst v13;
	v13 =	vadd.s32 $0x691C, v0  }
0xea: {  	s13 =	sadd.s32 s24, s13;
	s5 =	rddreg [dreg:$0xb];
	s9 =	sadd.s32 s22, s14;
	[tilespmem:s7+$0x0] =	vst v15;
	v14 =	vld.idx.msk [tilespmem:v6+s2+$0x0], $0xffff;
	v15 =	vadd.s32 $0x1A47, v4  }
0xeb: {  	v17 =	vadd.s32 $0x5657, v1;
	s10 =	rddreg [dreg:$0x1b];
	v16 =	vld.idx.msk [tilespmem:v16+s2+$0x0], $0xffff;
	[tilespmem:s9+$0x0] =	vst v11;
	s9 =	sadd.s32 s25, s13;
	s8 =	sadd.s32 s19, s8  }
0xec: {  	v19 =	vadd.s32 $0x782, v5;
	s5 =	sadd.s32 s26, s5;
	s14 =	rddreg [dreg:$0x6];
	v18 =	vld.idx.msk [tilespmem:v12+s2+$0x0], $0xffff;
	[tilespmem:s9+$0x0] =	vst v10;
	s8 =	sadd.s32 s18, s8  }
0xed: {  	s5 =	sadd.s32 s28, s5;
	s10 =	sadd.s32 s20, s10;
	s13 =	rddreg [dreg:$0x16];
	v10 =	vadd.s32 $0x4392, v2;
	v11 =	vld.idx.msk [tilespmem:v8+s2+$0x0], $0xffff;
	[tilespmem:s8+$0x0] =	vst v7  }
0xee: {  	s7 =	sadd.s32 s31, s14;
	[tilespmem:s5+$0x0] =	vst v9;
	s14 =	rddreg [dreg:$0x11];
	s8 =	sadd.s32 s21, s10;
	v6 =	vld.idx.msk [tilespmem:v13+s2+$0x0], $0xffff  }
0xef: {  	s7 =	sadd.s32 s30, s7;
	s9 =	sadd.s32 s23, s13;
	v13 =	vld.idx.msk [tilespmem:v15+s2+$0x0], $0xffff;
	[tilespmem:s8+$0x0] =	vst v14;
	s10 =	sld [smem:$0x7F8]  }
0xf0: {  	s29 =	sor.u32 $0x8880, s0;
	s9 =	sadd.s32 s22, s9;
	s8 =	rddreg [dreg:$0xc];
	[tilespmem:s7+$0x0] =	vst v16;
	v8 =	vld.idx.msk [tilespmem:v17+s2+$0x0], $0xffff  }
0xf1: {  	v12 =	vadd.s32 $0x30CD, v3;
	s5 =	sadd.s32 $0x10, s3;
	s14 =	sadd.s32 s24, s14;
	s3 =	rddreg [dreg:$0x1c];
	v15 =	vld.idx.msk [tilespmem:v19+s2+$0x0], $0xffff;
	[tilespmem:s9+$0x0] =	vst v18  }
0xf2: {  	v7 =	vadd.s32 $0x6CDD, v0;
	v9 =	vadd.s32 $0x5A18, v1;
	v14 =	vadd.s32 $0x1E08, v4;
	s7 =	sadd.s32 s25, s14;
	s9 =	rddreg [dreg:$0x7];
	s0 =	sadd.s32 s19, s10;
	v10 =	vld.idx.msk [tilespmem:v10+s2+$0x0], $0xffff  }
.LBB2_3:
0xf3: {  	_ =	sdelay $0x2  }
0xf4: {  	v16 =	vld [tilespmem:s5+$0x0];
	s8 =	sadd.s32 s26, s8;
	[tilespmem:s7+$0x0] =	vst v11;
	s10 =	sadd.s32 s18, s0  }
0xf5: {  	s0 =	smov.u32 s24;
	s8 =	sadd.s32 s28, s8;
	v11 =	vld.idx.msk [tilespmem:v12+s2+$0x0], $0xffff;
	[tilespmem:s10+$0x0] =	vst v6  }
0xf6: {  	v17 =	vadd.s32 $0xB43, v5;
	s24 =	smov.u32 s26;
	s26 =	smov.u32 s31;
	s13 =	sadd.s32 s20, s3;
	[tilespmem:s8+$0x0] =	vst v13  }
0xf7: {  	s3 =	smov.u32 s18;
	v12 =	vadd.s32 $0x4753, v2;
	s9 =	sadd.s32 s26, s9;
	s18 =	sadd.s32 s21, s13;
	v6 =	vld.idx.msk [tilespmem:v7+s2+$0x0], $0xffff  }
0xf8: {  	s7 =	rddreg [dreg:$0x17];
	s9 =	sadd.s32 s30, s9;
	v7 =	vld.idx.msk [tilespmem:v14+s2+$0x0], $0xffff;
	[tilespmem:s18+$0x0] =	vst v8  }
0xf9: {  	s7 =	sadd.s32 s23, s7;
	s10 =	sld [smem:$0x7F4];
	v13 =	vadd.s32 $0x348E, v3;
	[tilespmem:s9+$0x0] =	vst v15  }
0xfa: {  	s14 =	rddreg [dreg:$0x12];
	s7 =	sadd.s32 s22, s7;
	v8 =	vld.idx.msk [tilespmem:v9+s2+$0x0], $0xffff  }
0xfb: {  	s1 =	sadd.s32 $0x10, s1;
	s8 =	sadd.s32 s0, s14;
	v9 =	vadd.s32 $0x709E, v0;
	v14 =	vld.idx.msk [tilespmem:v17+s2+$0x0], $0xffff;
	[tilespmem:s7+$0x0] =	vst v10  }
0xfc: {  	s8 =	sadd.s32 s25, s8;
	s9 =	rddreg [dreg:$0xd];
	v15 =	vadd.s32 $0x21C9, v4;
	s10 =	sadd.s32 s19, s10;
	v10 =	vld.idx.msk [tilespmem:v12+s2+$0x0], $0xffff  }
0xfd: {  	s9 =	sadd.s32 s24, s9;
	s10 =	sadd.s32 s3, s10;
	v17 =	vld [tilespmem:s1+$0x0];
	[tilespmem:s8+$0x0] =	vst v11  }
0xfe: {  	s13 =	rddreg [dreg:$0x1d];
	v12 =	vadd.s32 $0x5DD9, v1;
	s9 =	sadd.s32 s28, s9;
	v11 =	vld.idx.msk [tilespmem:v13+s2+$0x0], $0xffff;
	[tilespmem:s10+$0x0] =	vst v6  }
0xff: {  	v18 =	vadd.s32 $0xF04, v5;
	s14 =	rddreg [dreg:$0x8];
	s18 =	smov.u32 s21;
	s21 =	sadd.s32 s20, s13;
	[tilespmem:s9+$0x0] =	vst v7  }
0x100: {  	s14 =	sadd.s32 s26, s14;
	s21 =	sadd.s32 s18, s21;
	s8 =	rddreg [dreg:$0x18];
	v13 =	vadd.s32 $0x4B14, v2;
	v6 =	vld.idx.msk [tilespmem:v9+s2+$0x0], $0xffff  }
0x101: {  	s13 =	sld [smem:$0x7F5];
	s8 =	sadd.s32 s23, s8;
	s10 =	sadd.s32 s30, s14;
	v7 =	vld.idx.msk [tilespmem:v15+s2+$0x0], $0xffff;
	v9 =	vadd.s32 $0x384F, v3;
	[tilespmem:s21+$0x0] =	vst v8  }
0x102: {  	s8 =	sadd.s32 s22, s8;
	s9 =	rddreg [dreg:$0x13];
	[tilespmem:s10+$0x0] =	vst v14  }
0x103: {  	s21 =	smov.u32 s22;
	s9 =	sadd.s32 s0, s9;
	s22 =	smov.u32 s25;
	v8 =	vld.idx.msk [tilespmem:v12+s2+$0x0], $0xffff;
	v12 =	vadd.s32 $0x745F, v0;
	v0 =	vmovc v1;
	v1 =	vmovc v2;
	v2 =	vmov v3;
	v3 =	vmov v4  }
0x104: {  	s13 =	sadd.s32 s19, s13;
	s14 =	rddreg [dreg:$0xe];
	s9 =	sadd.s32 s22, s9;
	v14 =	vld.idx.msk [tilespmem:v18+s2+$0x0], $0xffff;
	[tilespmem:s8+$0x0] =	vst v10;
	v15 =	vadd.s32 $0x258A, v3  }
0x105: {  	s13 =	sadd.s32 s3, s13;
	s10 =	sadd.s32 s24, s14;
	v10 =	vld.idx.msk [tilespmem:v13+s2+$0x0], $0xffff;
	[tilespmem:s9+$0x0] =	vst v11  }
0x106: {  	s8 =	rddreg [dreg:$0x1e];
	v4 =	vmov v5;
	s10 =	sadd.s32 s28, s10;
	v13 =	vadd.s32 $0x619A, v0;
	v9 =	vld.idx.msk [tilespmem:v9+s2+$0x0], $0xffff;
	[tilespmem:s13+$0x0] =	vst v6  }
0x107: {  	s25 =	rddreg [dreg:$0x9];
	v5 =	vmul.u32 $0x1F, v17;
	v17 =	vadd.s32 $0x12C5, v4;
	s8 =	sadd.s32 s20, s8;
	[tilespmem:s10+$0x0] =	vst v7  }
0x108: {  	s7 =	sld [smem:$0x7F6];
	s25 =	sadd.s32 s26, s25;
	v11 =	vadd.s32 $0x4ED5, v1;
	s8 =	sadd.s32 s18, s8;
	v6 =	vld.idx.msk [tilespmem:v12+s2+$0x0], $0xffff  }
0x109: {  	s14 =	rddreg [dreg:$0x19];
	v5 =	vadd.s32 v16, v5;
	s13 =	sadd.s32 s30, s25;
	v7 =	vld.idx.msk [tilespmem:v15+s2+$0x0], $0xffff;
	[tilespmem:s8+$0x0] =	vst v8  }
0x10a: {  	s9 =	sadd.s32 s23, s14;
	v12 =	vadd.s32 $0x3C10, v2;
	[tilespmem:s13+$0x0] =	vst v14  }
0x10b: {  	s9 =	sadd.s32 s21, s9;
	s10 =	rddreg [dreg:$0x14];
	v8 =	vld.idx.msk [tilespmem:v13+s2+$0x0], $0xffff  }
0x10c: {  	s31 =	rddreg [dreg:$0x1f];
	s7 =	sadd.s32 s19, s7;
	s10 =	sadd.s32 s0, s10;
	v14 =	vadd.s32 $0x294B, v3;
	v13 =	vld.idx.msk [tilespmem:v17+s2+$0x0], $0xffff;
	[tilespmem:s9+$0x0] =	vst v10  }
0x10d: {  	s3 =	sadd.s32 s3, s7;
	s8 =	rddreg [dreg:$0xf];
	s10 =	sadd.s32 s22, s10;
	v10 =	vld.idx.msk [tilespmem:v11+s2+$0x0], $0xffff  }
0x10e: {  	s7 =	rddreg [dreg:$0x5];
	s25 =	smov.u32 s28;
	s8 =	sadd.s32 s24, s8;
	v11 =	vadd.s32 $0x655B, v0;
	v15 =	vld.idx.msk [tilespmem:v5+s2+$0x0], $0xffff;
	[tilespmem:s10+$0x0] =	vst v9  }
0x10f: {  	v16 =	vadd.s32 $0x1686, v4;
	s9 =	rddreg [dreg:$0xa];
	s8 =	sadd.s32 s25, s8;
	s10 =	sadd.s32 s20, s31;
	v9 =	vld.idx.msk [tilespmem:v12+s2+$0x0], $0xffff;
	[tilespmem:s3+$0x0] =	vst v6  }
0x110: {  	s28 =	smov.u32 s30;
	s9 =	sadd.s32 s26, s9;
	s10 =	sadd.s32 s18, s10;
	[tilespmem:s8+$0x0] =	vst v7  }
0x111: {  	s4 =	sadd.s32 $0x10, s4;
	s14 =	rddreg [dreg:$0x1a];
	v12 =	vadd.s32 $0x5296, v1;
	s3 =	sadd.s32 s28, s9;
	v7 =	vld.idx.msk [tilespmem:v14+s2+$0x0], $0xffff;
	[tilespmem:s10+$0x0] =	vst v8  }
0x112: {  	s14 =	sadd.s32 s23, s14;
	s30 =	sand.u32 $0x70, s4;
	s31 =	sand.u32 $0x80, s4;
	v6 =	vadd.s32 $0x3C1, v5;
	[tilespmem:s3+$0x0] =	vst v13  }
0x113: {  	s13 =	rddreg [dreg:$0x15];
	s7 =	sadd.s32 s31, s7;
	s8 =	sadd.s32 s21, s14;
	v14 =	vadd.s32 $0x3FD1, v2;
	v8 =	vld.idx.msk [tilespmem:v11+s2+$0x0], $0xffff  }
0x114: {  	s7 =	sadd.s32 s30, s7;
	s3 =	sld [smem:$0x7F7];
	v13 =	vld.idx.msk [tilespmem:v16+s2+$0x0], $0xffff;
	v11 =	vadd.s32 $0x2D0C, v3;
	[tilespmem:s8+$0x0] =	vst v10  }
0x115: {  	s19 =	rddreg [dreg:$0x10];
	s9 =	sadd.s32 s0, s13;
	[tilespmem:s7+$0x0] =	vst v15  }
0x116: {  	s10 =	sadd.s32 s24, s19;
	s19 =	smov.u32 s20;
	s8 =	sadd.s32 s22, s9;
	v10 =	vld.idx.msk [tilespmem:v12+s2+$0x0], $0xffff;
	v12 =	vadd.s32 $0x691C, v0  }
0x117: {  	v16 =	vadd.s32 $0x1A47, v4;
	s9 =	sadd.s32 s25, s10;
	s7 =	rddreg [dreg:$0xb];
	v15 =	vld.idx.msk [tilespmem:v6+s2+$0x0], $0xffff;
	[tilespmem:s8+$0x0] =	vst v9;
	s3 =	sadd.s32 s19, s3  }
0x118: {  	s7 =	sadd.s32 s26, s7;
	v9 =	vld.idx.msk [tilespmem:v14+s2+$0x0], $0xffff;
	[tilespmem:s9+$0x0] =	vst v7;
	s3 =	sadd.s32 s18, s3  }
0x119: {  	s13 =	rddreg [dreg:$0x1b];
	v14 =	vadd.s32 $0x5657, v1;
	s7 =	sadd.s32 s28, s7;
	v11 =	vld.idx.msk [tilespmem:v11+s2+$0x0], $0xffff;
	[tilespmem:s3+$0x0] =	vst v8  }
0x11a: {  	p1 =	slt.u32 s4, $0xF0;
	v17 =	vadd.s32 $0x782, v5;
	s14 =	rddreg [dreg:$0x6];
	s8 =	sadd.s32 s23, s13;
	[tilespmem:s7+$0x0] =	vst v13  }
0x11b: {  	v63 =	vadd.s32 $0x4392, v2;
	s10 =	sld [smem:$0x7F8];
	s13 =	sadd.s32 s31, s14;
	s8 =	sadd.s32 s21, s8;
	v6 =	vld.idx.msk [tilespmem:v12+s2+$0x0], $0xffff  }
.Ltmp0:
0x11c: {  	s9 =	rddreg [dreg:$0x16];
	s3 =	sadd.s32 s30, s13;
	v13 =	vld.idx.msk [tilespmem:v16+s2+$0x0], $0xffff;
	[tilespmem:s8+$0x0] =	vst v10;
	(pc) =	sbr.rel @p1 .LBB2_3-.Ltmp0, $4  }
0x11d: {  	s5 =	sadd.s32 $0x10, s5;
	s14 =	rddreg [dreg:$0x11];
	s9 =	sadd.s32 s0, s9;
	[tilespmem:s3+$0x0] =	vst v15  }
0x11e: {  	s20 =	smov.u32 s23;
	s13 =	sadd.s32 s22, s9;
	s9 =	rddreg [dreg:$0x7];
	v8 =	vld.idx.msk [tilespmem:v14+s2+$0x0], $0xffff  }
0x11f: {  	s23 =	smov.u32 s0;
	v7 =	vadd.s32 $0x6CDD, v0;
	s14 =	sadd.s32 s24, s14;
	s8 =	rddreg [dreg:$0xc];
	v15 =	vld.idx.msk [tilespmem:v17+s2+$0x0], $0xffff;
	[tilespmem:s13+$0x0] =	vst v9  }
0x120: {  	s0 =	sadd.s32 s19, s10;
	s7 =	sadd.s32 s25, s14;
	v12 =	vadd.s32 $0x30CD, v3;
	s3 =	rddreg [dreg:$0x1c];
	v14 =	vadd.s32 $0x1E08, v4;
	v9 =	vadd.s32 $0x5A18, v1;
	v10 =	vld.idx.msk [tilespmem:v63+s2+$0x0], $0xffff  }
0x121: {  	v16 =	vadd.s32 $0xB43, v5;
	_ =	sdelay $0x1  }
0x122: {  	s1 =	sadd.s32 s31, s9  }
0x123: {  	s1 =	sadd.s32 s30, s1  }
0x124: {  	[tilespmem:s1+$0x0] =	vst v15  }
0x125: {  	v15 =	vld.idx.msk [tilespmem:v16+s2+$0x0], $0xffff  }
0x126: {  	v54 =	vadd.s32 $0xF04, v5  }
0x127: {  	s1 =	rddreg [dreg:$0x8]  }
0x128: {  	s1 =	sadd.s32 s31, s1  }
0x129: {  	s1 =	sadd.s32 s30, s1  }
0x12a: {  	[tilespmem:s1+$0x0] =	vst v15  }
0x12b: {  	v15 =	vld.idx.msk [tilespmem:v54+s2+$0x0], $0xffff  }
0x12c: {  	v55 =	vadd.s32 $0x12C5, v5  }
0x12d: {  	s1 =	rddreg [dreg:$0x9]  }
0x12e: {  	s1 =	sadd.s32 s31, s1  }
0x12f: {  	s1 =	sadd.s32 s30, s1  }
0x130: {  	[tilespmem:s1+$0x0] =	vst v15  }
0x131: {  	v15 =	vld.idx.msk [tilespmem:v55+s2+$0x0], $0xffff  }
0x132: {  	v56 =	vadd.s32 $0x1686, v5  }
0x133: {  	s1 =	rddreg [dreg:$0xa]  }
0x134: {  	s1 =	sadd.s32 s31, s1  }
0x135: {  	s1 =	sadd.s32 s30, s1  }
0x136: {  	[tilespmem:s1+$0x0] =	vst v15  }
0x137: {  	v15 =	vld.idx.msk [tilespmem:v56+s2+$0x0], $0xffff  }
0x138: {  	v57 =	vadd.s32 $0x1A47, v5  }
0x139: {  	s1 =	rddreg [dreg:$0xb]  }
0x13a: {  	s1 =	sadd.s32 s31, s1  }
0x13b: {  	s1 =	sadd.s32 s30, s1  }
0x13c: {  	[tilespmem:s1+$0x0] =	vst v15  }
0x13d: {  	v15 =	vld.idx.msk [tilespmem:v57+s2+$0x0], $0xffff  }
0x13e: {  	v58 =	vadd.s32 $0x1E08, v5;
	s4 =	sadd.s32 s26, s8  }
0x13f: {  	s4 =	sadd.s32 s28, s4;
	s1 =	rddreg [dreg:$0xc]  }
0x140: {  	[tilespmem:s4+$0x0] =	vst v13;
	s1 =	sadd.s32 s31, s1  }
0x141: {  	v13 =	vld.idx.msk [tilespmem:v14+s2+$0x0], $0xffff;
	s1 =	sadd.s32 s30, s1  }
0x142: {  	v59 =	vadd.s32 $0x21C9, v4;
	[tilespmem:s1+$0x0] =	vst v15  }
0x143: {  	s4 =	rddreg [dreg:$0xd];
	v15 =	vld.idx.msk [tilespmem:v58+s2+$0x0], $0xffff  }
0x144: {  	v60 =	vadd.s32 $0x21C9, v5;
	s4 =	sadd.s32 s26, s4  }
0x145: {  	s4 =	sadd.s32 s28, s4;
	s1 =	rddreg [dreg:$0xd]  }
0x146: {  	[tilespmem:s4+$0x0] =	vst v13;
	s1 =	sadd.s32 s31, s1  }
0x147: {  	v13 =	vld.idx.msk [tilespmem:v59+s2+$0x0], $0xffff;
	s1 =	sadd.s32 s30, s1  }
0x148: {  	v61 =	vadd.s32 $0x258A, v4;
	[tilespmem:s1+$0x0] =	vst v15  }
0x149: {  	s4 =	rddreg [dreg:$0xe];
	v15 =	vld.idx.msk [tilespmem:v60+s2+$0x0], $0xffff  }
0x14a: {  	v62 =	vadd.s32 $0x258A, v5;
	s4 =	sadd.s32 s26, s4  }
0x14b: {  	s4 =	sadd.s32 s28, s4;
	s1 =	rddreg [dreg:$0xe]  }
0x14c: {  	[tilespmem:s4+$0x0] =	vst v13;
	s1 =	sadd.s32 s31, s1  }
0x14d: {  	v13 =	vld.idx.msk [tilespmem:v61+s2+$0x0], $0xffff;
	s1 =	sadd.s32 s30, s1  }
0x14e: {  	v63 =	vadd.s32 $0x294B, v4;
	[tilespmem:s1+$0x0] =	vst v15  }
0x14f: {  	s4 =	rddreg [dreg:$0xf];
	v15 =	vld.idx.msk [tilespmem:v62+s2+$0x0], $0xffff  }
0x150: {  	v20 =	vadd.s32 $0x294B, v5;
	s4 =	sadd.s32 s26, s4  }
0x151: {  	s4 =	sadd.s32 s28, s4;
	s1 =	rddreg [dreg:$0xf]  }
0x152: {  	s5 =	rddreg [dreg:$0x10];
	[tilespmem:s4+$0x0] =	vst v13;
	s1 =	sadd.s32 s31, s1  }
0x153: {  	v13 =	vld.idx.msk [tilespmem:v63+s2+$0x0], $0xffff;
	s1 =	sadd.s32 s30, s1  }
0x154: {  	v21 =	vadd.s32 $0x2D0C, v4;
	s13 =	rddreg [dreg:$0x10];
	[tilespmem:s1+$0x0] =	vst v15  }
0x155: {  	v15 =	vld.idx.msk [tilespmem:v20+s2+$0x0], $0xffff  }
0x156: {  	v22 =	vadd.s32 $0x2D0C, v5;
	s14 =	sadd.s32 s26, s5  }
0x157: {  	s1 =	sadd.s32 s28, s14  }
0x158: {  	s4 =	sadd.s32 s31, s13;
	[tilespmem:s1+$0x0] =	vst v13  }
0x159: {  	s4 =	sadd.s32 s30, s4;
	v13 =	vld.idx.msk [tilespmem:v21+s2+$0x0], $0xffff  }
0x15a: {  	v23 =	vadd.s32 $0x30CD, v4;
	[tilespmem:s4+$0x0] =	vst v15  }
0x15b: {  	s5 =	rddreg [dreg:$0x11];
	v15 =	vld.idx.msk [tilespmem:v22+s2+$0x0], $0xffff  }
0x15c: {  	v24 =	vadd.s32 $0x30CD, v5;
	s4 =	sadd.s32 s26, s5  }
0x15d: {  	[tilespmem:s7+$0x0] =	vst v11;
	s1 =	rddreg [dreg:$0x11];
	s4 =	sadd.s32 s28, s4  }
0x15e: {  	v11 =	vld.idx.msk [tilespmem:v12+s2+$0x0], $0xffff;
	s1 =	sadd.s32 s31, s1;
	[tilespmem:s4+$0x0] =	vst v13  }
0x15f: {  	v25 =	vadd.s32 $0x348E, v3;
	s1 =	sadd.s32 s30, s1;
	v13 =	vld.idx.msk [tilespmem:v23+s2+$0x0], $0xffff  }
0x160: {  	v26 =	vadd.s32 $0x348E, v4;
	s7 =	rddreg [dreg:$0x12];
	[tilespmem:s1+$0x0] =	vst v15  }
0x161: {  	s5 =	sadd.s32 s24, s7;
	s4 =	rddreg [dreg:$0x12];
	v15 =	vld.idx.msk [tilespmem:v24+s2+$0x0], $0xffff  }
0x162: {  	v27 =	vadd.s32 $0x348E, v5;
	s5 =	sadd.s32 s25, s5;
	s4 =	sadd.s32 s26, s4  }
0x163: {  	[tilespmem:s5+$0x0] =	vst v11;
	s4 =	sadd.s32 s28, s4;
	s1 =	rddreg [dreg:$0x12]  }
0x164: {  	v11 =	vld.idx.msk [tilespmem:v25+s2+$0x0], $0xffff;
	s1 =	sadd.s32 s31, s1;
	[tilespmem:s4+$0x0] =	vst v13  }
0x165: {  	v28 =	vadd.s32 $0x384F, v3;
	s1 =	sadd.s32 s30, s1;
	v13 =	vld.idx.msk [tilespmem:v26+s2+$0x0], $0xffff  }
0x166: {  	v29 =	vadd.s32 $0x384F, v4;
	s5 =	rddreg [dreg:$0x13];
	[tilespmem:s1+$0x0] =	vst v15  }
0x167: {  	s5 =	sadd.s32 s24, s5;
	s4 =	rddreg [dreg:$0x13];
	v15 =	vld.idx.msk [tilespmem:v27+s2+$0x0], $0xffff  }
0x168: {  	v30 =	vadd.s32 $0x384F, v5;
	s5 =	sadd.s32 s25, s5;
	s4 =	sadd.s32 s26, s4  }
0x169: {  	[tilespmem:s5+$0x0] =	vst v11;
	s4 =	sadd.s32 s28, s4;
	s1 =	rddreg [dreg:$0x13]  }
0x16a: {  	v11 =	vld.idx.msk [tilespmem:v28+s2+$0x0], $0xffff;
	s1 =	sadd.s32 s31, s1;
	[tilespmem:s4+$0x0] =	vst v13  }
0x16b: {  	v31 =	vadd.s32 $0x3C10, v3;
	s1 =	sadd.s32 s30, s1;
	v13 =	vld.idx.msk [tilespmem:v29+s2+$0x0], $0xffff  }
0x16c: {  	v32 =	vadd.s32 $0x3C10, v4;
	s5 =	rddreg [dreg:$0x14];
	[tilespmem:s1+$0x0] =	vst v15  }
0x16d: {  	s5 =	sadd.s32 s24, s5;
	s4 =	rddreg [dreg:$0x14];
	v15 =	vld.idx.msk [tilespmem:v30+s2+$0x0], $0xffff  }
0x16e: {  	v33 =	vadd.s32 $0x3C10, v5;
	s7 =	rddreg [dreg:$0x15];
	s5 =	sadd.s32 s25, s5;
	s4 =	sadd.s32 s26, s4  }
0x16f: {  	[tilespmem:s5+$0x0] =	vst v11;
	s4 =	sadd.s32 s28, s4;
	s1 =	rddreg [dreg:$0x14]  }
0x170: {  	s8 =	rddreg [dreg:$0x15];
	v11 =	vld.idx.msk [tilespmem:v31+s2+$0x0], $0xffff;
	s1 =	sadd.s32 s31, s1;
	[tilespmem:s4+$0x0] =	vst v13  }
0x171: {  	v34 =	vadd.s32 $0x3FD1, v3;
	s1 =	sadd.s32 s30, s1;
	v13 =	vld.idx.msk [tilespmem:v32+s2+$0x0], $0xffff  }
0x172: {  	v35 =	vadd.s32 $0x3FD1, v4;
	s9 =	rddreg [dreg:$0x15];
	[tilespmem:s1+$0x0] =	vst v15  }
0x173: {  	s10 =	sadd.s32 s24, s7;
	v15 =	vld.idx.msk [tilespmem:v33+s2+$0x0], $0xffff  }
0x174: {  	v36 =	vadd.s32 $0x3FD1, v5;
	s5 =	sadd.s32 s26, s8;
	s1 =	sadd.s32 s25, s10  }
0x175: {  	s13 =	sadd.s32 s28, s5;
	[tilespmem:s1+$0x0] =	vst v11  }
0x176: {  	s4 =	sadd.s32 s31, s9;
	v11 =	vld.idx.msk [tilespmem:v34+s2+$0x0], $0xffff;
	[tilespmem:s13+$0x0] =	vst v13  }
0x177: {  	v37 =	vadd.s32 $0x4392, v3;
	s4 =	sadd.s32 s30, s4;
	v13 =	vld.idx.msk [tilespmem:v35+s2+$0x0], $0xffff  }
0x178: {  	v38 =	vadd.s32 $0x4392, v4;
	s14 =	rddreg [dreg:$0x16];
	[tilespmem:s4+$0x0] =	vst v15  }
0x179: {  	s7 =	rddreg [dreg:$0x16];
	s5 =	sadd.s32 s24, s14;
	v15 =	vld.idx.msk [tilespmem:v36+s2+$0x0], $0xffff  }
0x17a: {  	v39 =	vadd.s32 $0x4392, v5;
	s5 =	sadd.s32 s25, s5;
	s4 =	sadd.s32 s26, s7  }
0x17b: {  	s1 =	rddreg [dreg:$0x16];
	[tilespmem:s5+$0x0] =	vst v11;
	s4 =	sadd.s32 s28, s4  }
0x17c: {  	v40 =	vadd.s32 $0x4753, v2;
	s1 =	sadd.s32 s31, s1;
	v12 =	vld.idx.msk [tilespmem:v37+s2+$0x0], $0xffff;
	[tilespmem:s4+$0x0] =	vst v13  }
0x17d: {  	v41 =	vadd.s32 $0x4753, v3;
	s8 =	rddreg [dreg:$0x17];
	s1 =	sadd.s32 s30, s1;
	v14 =	vld.idx.msk [tilespmem:v38+s2+$0x0], $0xffff  }
0x17e: {  	v42 =	vadd.s32 $0x4753, v4;
	s9 =	sadd.s32 s23, s8;
	s5 =	rddreg [dreg:$0x17];
	[tilespmem:s1+$0x0] =	vst v15  }
0x17f: {  	s4 =	rddreg [dreg:$0x17];
	s5 =	sadd.s32 s24, s5;
	s1 =	sadd.s32 s22, s9;
	v16 =	vld.idx.msk [tilespmem:v39+s2+$0x0], $0xffff  }
0x180: {  	v17 =	vadd.s32 $0x4753, v5;
	s13 =	sadd.s32 s25, s5;
	s4 =	sadd.s32 s26, s4;
	[tilespmem:s1+$0x0] =	vst v10  }
0x181: {  	s4 =	sadd.s32 s28, s4;
	s10 =	rddreg [dreg:$0x17];
	[tilespmem:s13+$0x0] =	vst v12;
	v10 =	vld.idx.msk [tilespmem:v40+s2+$0x0], $0xffff  }
0x182: {  	v43 =	vadd.s32 $0x4B14, v2;
	s7 =	sadd.s32 s31, s10;
	v12 =	vld.idx.msk [tilespmem:v41+s2+$0x0], $0xffff;
	[tilespmem:s4+$0x0] =	vst v14  }
0x183: {  	v44 =	vadd.s32 $0x4B14, v3;
	s14 =	rddreg [dreg:$0x18];
	s9 =	sadd.s32 s30, s7;
	v14 =	vld.idx.msk [tilespmem:v42+s2+$0x0], $0xffff  }
0x184: {  	v45 =	vadd.s32 $0x4B14, v4;
	s8 =	rddreg [dreg:$0x18];
	s13 =	sadd.s32 s23, s14;
	[tilespmem:s9+$0x0] =	vst v16  }
0x185: {  	s10 =	rddreg [dreg:$0x18];
	s7 =	sadd.s32 s24, s8;
	s1 =	sadd.s32 s22, s13;
	v16 =	vld.idx.msk [tilespmem:v17+s2+$0x0], $0xffff  }
0x186: {  	v46 =	vadd.s32 $0x4B14, v5;
	s7 =	sadd.s32 s25, s7;
	s4 =	sadd.s32 s26, s10;
	[tilespmem:s1+$0x0] =	vst v10  }
0x187: {  	s9 =	sadd.s32 s28, s4;
	s14 =	rddreg [dreg:$0x18];
	[tilespmem:s7+$0x0] =	vst v12;
	v10 =	vld.idx.msk [tilespmem:v43+s2+$0x0], $0xffff  }
0x188: {  	v47 =	vadd.s32 $0x4ED5, v2;
	s8 =	rddreg [dreg:$0x19];
	s10 =	sadd.s32 s31, s14;
	v12 =	vld.idx.msk [tilespmem:v44+s2+$0x0], $0xffff;
	[tilespmem:s9+$0x0] =	vst v14  }
0x189: {  	v48 =	vadd.s32 $0x4ED5, v3;
	s5 =	rddreg [dreg:$0x19];
	s13 =	sadd.s32 s30, s10;
	v14 =	vld.idx.msk [tilespmem:v45+s2+$0x0], $0xffff  }
0x18a: {  	v49 =	vadd.s32 $0x4ED5, v4;
	s14 =	rddreg [dreg:$0x19];
	s8 =	sadd.s32 s23, s8;
	[tilespmem:s13+$0x0] =	vst v16  }
0x18b: {  	s10 =	rddreg [dreg:$0x1a];
	s5 =	sadd.s32 s24, s5;
	s1 =	sadd.s32 s22, s8;
	v16 =	vld.idx.msk [tilespmem:v46+s2+$0x0], $0xffff  }
0x18c: {  	v50 =	vadd.s32 $0x4ED5, v5;
	s5 =	sadd.s32 s25, s5;
	s4 =	sadd.s32 s26, s14;
	s13 =	rddreg [dreg:$0x1a];
	[tilespmem:s1+$0x0] =	vst v10  }
0x18d: {  	s4 =	sadd.s32 s28, s4;
	s9 =	rddreg [dreg:$0x19];
	[tilespmem:s5+$0x0] =	vst v12;
	v10 =	vld.idx.msk [tilespmem:v47+s2+$0x0], $0xffff  }
0x18e: {  	v51 =	vadd.s32 $0x5296, v2;
	s14 =	rddreg [dreg:$0x1a];
	s7 =	sadd.s32 s31, s9;
	v12 =	vld.idx.msk [tilespmem:v48+s2+$0x0], $0xffff;
	[tilespmem:s4+$0x0] =	vst v14  }
0x18f: {  	v52 =	vadd.s32 $0x5296, v3;
	s7 =	sadd.s32 s30, s7;
	v14 =	vld.idx.msk [tilespmem:v49+s2+$0x0], $0xffff  }
0x190: {  	v53 =	vadd.s32 $0x5296, v4;
	s10 =	sadd.s32 s23, s10;
	s9 =	rddreg [dreg:$0x1a];
	[tilespmem:s7+$0x0] =	vst v16  }
0x191: {  	s1 =	sadd.s32 s24, s13;
	s7 =	sadd.s32 s22, s10;
	v16 =	vld.idx.msk [tilespmem:v50+s2+$0x0], $0xffff  }
0x192: {  	v54 =	vadd.s32 $0x5296, v5;
	s5 =	sadd.s32 s26, s14;
	s1 =	sadd.s32 s25, s1;
	[tilespmem:s7+$0x0] =	vst v10  }
0x193: {  	s13 =	sadd.s32 s28, s5;
	[tilespmem:s1+$0x0] =	vst v12;
	v10 =	vld.idx.msk [tilespmem:v51+s2+$0x0], $0xffff  }
0x194: {  	s4 =	sadd.s32 s31, s9;
	v12 =	vld.idx.msk [tilespmem:v52+s2+$0x0], $0xffff;
	[tilespmem:s13+$0x0] =	vst v14  }
0x195: {  	s3 =	sadd.s32 s20, s3;
	v56 =	vadd.s32 $0x5657, v3;
	s8 =	sadd.s32 s30, s4;
	s7 =	rddreg [dreg:$0x1b];
	v14 =	vld.idx.msk [tilespmem:v53+s2+$0x0], $0xffff  }
0x196: {  	s3 =	sadd.s32 s21, s3;
	v55 =	vadd.s32 $0x5657, v2;
	s14 =	rddreg [dreg:$0x1b];
	s10 =	sadd.s32 s23, s7;
	[tilespmem:s8+$0x0] =	vst v16  }
0x197: {  	[tilespmem:s3+$0x0] =	vst v8;
	v57 =	vadd.s32 $0x5657, v4;
	s9 =	rddreg [dreg:$0x1b];
	s5 =	sadd.s32 s24, s14;
	s1 =	sadd.s32 s22, s10;
	v16 =	vld.idx.msk [tilespmem:v54+s2+$0x0], $0xffff  }
0x198: {  	v58 =	vadd.s32 $0x5657, v5;
	s14 =	sadd.s32 s25, s5;
	s4 =	sadd.s32 s26, s9;
	[tilespmem:s1+$0x0] =	vst v10  }
0x199: {  	v9 =	vld.idx.msk [tilespmem:v9+s2+$0x0], $0xffff;
	s8 =	sadd.s32 s28, s4;
	s13 =	rddreg [dreg:$0x1b];
	[tilespmem:s14+$0x0] =	vst v12  }
0x19a: {  	s9 =	sadd.s32 s31, s13;
	v12 =	vld.idx.msk [tilespmem:v56+s2+$0x0], $0xffff;
	[tilespmem:s8+$0x0] =	vst v14;
	s8 =	rddreg [dreg:$0x1d]  }
0x19b: {  	v60 =	vadd.s32 $0x5A18, v3;
	v10 =	vld.idx.msk [tilespmem:v55+s2+$0x0], $0xffff;
	s13 =	sadd.s32 s30, s9;
	s14 =	rddreg [dreg:$0x1c]  }
0x19c: {  	v59 =	vadd.s32 $0x5A18, v2;
	s10 =	rddreg [dreg:$0x1c];
	v14 =	vld.idx.msk [tilespmem:v57+s2+$0x0], $0xffff;
	s4 =	sadd.s32 s26, s14;
	s14 =	sadd.s32 s20, s8;
	[tilespmem:s13+$0x0] =	vst v16  }
0x19d: {  	v61 =	vadd.s32 $0x5A18, v4;
	s5 =	rddreg [dreg:$0x1c];
	s7 =	sadd.s32 s24, s10;
	s8 =	sadd.s32 s21, s14;
	v62 =	vld.idx.msk [tilespmem:v58+s2+$0x0], $0xffff  }
0x19e: {  	v63 =	vadd.s32 $0x5A18, v5;
	s3 =	sadd.s32 s23, s5;
	s9 =	sadd.s32 s25, s7;
	[tilespmem:s8+$0x0] =	vst v9  }
0x19f: {  	v20 =	vadd.s32 $0x5DD9, v1;
	s1 =	sadd.s32 s22, s3;
	s5 =	rddreg [dreg:$0x1c];
	[tilespmem:s9+$0x0] =	vst v12  }
0x1a0: {  	s13 =	sadd.s32 s28, s4;
	[tilespmem:s1+$0x0] =	vst v10;
	s3 =	sadd.s32 s31, s5;
	v13 =	vld.idx.msk [tilespmem:v60+s2+$0x0], $0xffff  }
0x1a1: {  	v22 =	vadd.s32 $0x5DD9, v3;
	s14 =	rddreg [dreg:$0x1e];
	v11 =	vld.idx.msk [tilespmem:v59+s2+$0x0], $0xffff;
	[tilespmem:s13+$0x0] =	vst v14;
	s3 =	sadd.s32 s30, s3  }
0x1a2: {  	v21 =	vadd.s32 $0x5DD9, v2;
	s5 =	rddreg [dreg:$0x1d];
	v8 =	vld.idx.msk [tilespmem:v61+s2+$0x0], $0xffff;
	[tilespmem:s3+$0x0] =	vst v62  }
0x1a3: {  	v23 =	vadd.s32 $0x5DD9, v4;
	s10 =	rddreg [dreg:$0x1d];
	s5 =	sadd.s32 s24, s5;
	v15 =	vld.idx.msk [tilespmem:v63+s2+$0x0], $0xffff  }
0x1a4: {  	v24 =	vadd.s32 $0x5DD9, v5;
	v10 =	vld.idx.msk [tilespmem:v20+s2+$0x0], $0xffff;
	s9 =	rddreg [dreg:$0x1d];
	s10 =	sadd.s32 s23, s10;
	s5 =	sadd.s32 s25, s5  }
0x1a5: {  	v25 =	vadd.s32 $0x619A, v1;
	s1 =	sadd.s32 s22, s10;
	s4 =	sadd.s32 s26, s9;
	s13 =	rddreg [dreg:$0x1d];
	[tilespmem:s5+$0x0] =	vst v13  }
0x1a6: {  	s4 =	sadd.s32 s28, s4;
	[tilespmem:s1+$0x0] =	vst v11;
	s1 =	rddreg [dreg:$0x1f];
	s3 =	sadd.s32 s31, s13;
	v14 =	vld.idx.msk [tilespmem:v22+s2+$0x0], $0xffff  }
0x1a7: {  	v27 =	vadd.s32 $0x619A, v3;
	s9 =	sadd.s32 s20, s14;
	v12 =	vld.idx.msk [tilespmem:v21+s2+$0x0], $0xffff;
	s8 =	rddreg [dreg:$0x1e];
	[tilespmem:s4+$0x0] =	vst v8;
	s3 =	sadd.s32 s30, s3  }
0x1a8: {  	v26 =	vadd.s32 $0x619A, v2;
	s10 =	rddreg [dreg:$0x1e];
	s13 =	sadd.s32 s21, s9;
	v9 =	vld.idx.msk [tilespmem:v23+s2+$0x0], $0xffff;
	[tilespmem:s3+$0x0] =	vst v15  }
0x1a9: {  	v28 =	vadd.s32 $0x619A, v4;
	s14 =	rddreg [dreg:$0x1e];
	[tilespmem:s13+$0x0] =	vst v10;
	s7 =	sadd.s32 s24, s10;
	v15 =	vld.idx.msk [tilespmem:v24+s2+$0x0], $0xffff  }
0x1aa: {  	v29 =	vadd.s32 $0x619A, v5;
	s4 =	sadd.s32 s23, s8;
	s10 =	rddreg [dreg:$0x1f];
	v11 =	vld.idx.msk [tilespmem:v25+s2+$0x0], $0xffff;
	s7 =	sadd.s32 s25, s7  }
0x1ab: {  	v30 =	vadd.s32 $0x655B, v1;
	s5 =	sadd.s32 s26, s14;
	s3 =	sadd.s32 s22, s4;
	s8 =	rddreg [dreg:$0x1e];
	[tilespmem:s7+$0x0] =	vst v14  }
0x1ac: {  	s9 =	rddreg [dreg:$0x1f];
	s5 =	sadd.s32 s28, s5;
	[tilespmem:s3+$0x0] =	vst v12;
	s4 =	sadd.s32 s31, s8;
	v8 =	vld.idx.msk [tilespmem:v27+s2+$0x0], $0xffff  }
0x1ad: {  	v32 =	vadd.s32 $0x655B, v3;
	s1 =	sadd.s32 s20, s1;
	s13 =	rddreg [dreg:$0x1f];
	v13 =	vld.idx.msk [tilespmem:v26+s2+$0x0], $0xffff;
	[tilespmem:s5+$0x0] =	vst v9;
	s4 =	sadd.s32 s30, s4  }
0x1ae: {  	v31 =	vadd.s32 $0x655B, v2;
	s1 =	sadd.s32 s21, s1;
	s14 =	rddreg [dreg:$0x1f];
	v10 =	vld.idx.msk [tilespmem:v28+s2+$0x0], $0xffff;
	[tilespmem:s4+$0x0] =	vst v15  }
0x1af: {  	s0 =	sadd.s32 s18, s0;
	v33 =	vadd.s32 $0x655B, v4;
	s3 =	sadd.s32 s24, s10;
	[tilespmem:s1+$0x0] =	vst v11;
	v15 =	vld.idx.msk [tilespmem:v29+s2+$0x0], $0xffff  }
0x1b0: {  	[tilespmem:s0+$0x0] =	vst v6;
	v35 =	vadd.s32 $0x655B, v5;
	s8 =	sadd.s32 s25, s3;
	v34 =	vld.idx.msk [tilespmem:v30+s2+$0x0], $0xffff;
	s0 =	sld [smem:$0x7F7];
	s4 =	sadd.s32 s23, s9  }
0x1b1: {  	v7 =	vld.idx.msk [tilespmem:v7+s2+$0x0], $0xffff;
	v36 =	vadd.s32 $0x691C, v1;
	s9 =	sadd.s32 s26, s13;
	s1 =	sadd.s32 s22, s4;
	s4 =	sld [smem:$0x7F4];
	[tilespmem:s8+$0x0] =	vst v8  }
0x1b2: {  	s14 =	sadd.s32 s31, s14;
	s13 =	sadd.s32 s28, s9;
	[tilespmem:s1+$0x0] =	vst v13;
	v9 =	vld.idx.msk [tilespmem:v32+s2+$0x0], $0xffff;
	s5 =	sld [smem:$0x7F7]  }
0x1b3: {  	v38 =	vadd.s32 $0x691C, v3;
	s3 =	sadd.s32 s30, s14;
	s0 =	sadd.s32 s20, s0;
	[tilespmem:s13+$0x0] =	vst v10;
	v13 =	vld.idx.msk [tilespmem:v31+s2+$0x0], $0xffff;
	s10 =	sld [smem:$0x7F7]  }
0x1b4: {  	v37 =	vadd.s32 $0x691C, v2;
	s0 =	sadd.s32 s21, s0;
	v11 =	vld.idx.msk [tilespmem:v33+s2+$0x0], $0xffff;
	s8 =	sld [smem:$0x7F7];
	s4 =	sadd.s32 s19, s4;
	[tilespmem:s3+$0x0] =	vst v15  }
0x1b5: {  	v39 =	vadd.s32 $0x691C, v4;
	[tilespmem:s0+$0x0] =	vst v34;
	s9 =	sadd.s32 s18, s4;
	s5 =	sadd.s32 s24, s5;
	v12 =	vld.idx.msk [tilespmem:v35+s2+$0x0], $0xffff;
	s13 =	sld [smem:$0x7F7]  }
0x1b6: {  	v41 =	vadd.s32 $0x691C, v5;
	v40 =	vld.idx.msk [tilespmem:v36+s2+$0x0], $0xffff;
	s14 =	sld [smem:$0x7F8];
	s10 =	sadd.s32 s23, s10;
	[tilespmem:s9+$0x0] =	vst v7;
	s5 =	sadd.s32 s25, s5  }
0x1b7: {  	v42 =	vadd.s32 $0x6CDD, v1;
	s4 =	sadd.s32 s26, s8;
	s7 =	sadd.s32 s22, s10;
	s0 =	sld [smem:$0x7F6];
	[tilespmem:s5+$0x0] =	vst v9  }
0x1b8: {  	s4 =	sadd.s32 s28, s4;
	[tilespmem:s7+$0x0] =	vst v13;
	v10 =	vld.idx.msk [tilespmem:v38+s2+$0x0], $0xffff;
	s5 =	sld [smem:$0x7F8];
	s3 =	sadd.s32 s31, s13  }
0x1b9: {  	v44 =	vadd.s32 $0x6CDD, v3;
	s1 =	sadd.s32 s20, s14;
	[tilespmem:s4+$0x0] =	vst v11;
	v8 =	vld.idx.msk [tilespmem:v37+s2+$0x0], $0xffff;
	s7 =	sld [smem:$0x7F8];
	s3 =	sadd.s32 s30, s3  }
0x1ba: {  	v43 =	vadd.s32 $0x6CDD, v2;
	s1 =	sadd.s32 s21, s1;
	v6 =	vld.idx.msk [tilespmem:v39+s2+$0x0], $0xffff;
	s4 =	sld [smem:$0x7F8];
	[tilespmem:s3+$0x0] =	vst v12  }
0x1bb: {  	v45 =	vadd.s32 $0x6CDD, v4;
	[tilespmem:s1+$0x0] =	vst v40;
	s5 =	sadd.s32 s24, s5;
	v12 =	vld.idx.msk [tilespmem:v41+s2+$0x0], $0xffff;
	s3 =	sld [smem:$0x7F8]  }
0x1bc: {  	v47 =	vadd.s32 $0x6CDD, v5;
	v46 =	vld.idx.msk [tilespmem:v42+s2+$0x0], $0xffff;
	s9 =	sld [smem:$0x7F4];
	s8 =	sadd.s32 s23, s7;
	s10 =	sadd.s32 s25, s5  }
0x1bd: {  	v48 =	vadd.s32 $0x709E, v0;
	s4 =	sadd.s32 s26, s4;
	s1 =	sadd.s32 s22, s8;
	s8 =	sld [smem:$0x7F5];
	[tilespmem:s10+$0x0] =	vst v10  }
0x1be: {  	v49 =	vadd.s32 $0x709E, v1;
	s13 =	sadd.s32 s28, s4;
	[tilespmem:s1+$0x0] =	vst v8;
	v11 =	vld.idx.msk [tilespmem:v44+s2+$0x0], $0xffff;
	s7 =	sld [smem:$0x7F4];
	s3 =	sadd.s32 s31, s3  }
0x1bf: {  	v51 =	vadd.s32 $0x709E, v3;
	s14 =	sadd.s32 s20, s9;
	[tilespmem:s13+$0x0] =	vst v6;
	v9 =	vld.idx.msk [tilespmem:v43+s2+$0x0], $0xffff;
	s5 =	sld [smem:$0x7F4];
	s3 =	sadd.s32 s30, s3  }
0x1c0: {  	v50 =	vadd.s32 $0x709E, v2;
	s9 =	sadd.s32 s21, s14;
	v7 =	vld.idx.msk [tilespmem:v45+s2+$0x0], $0xffff;
	s10 =	sld [smem:$0x7F4];
	[tilespmem:s3+$0x0] =	vst v12  }
0x1c1: {  	v52 =	vadd.s32 $0x709E, v4;
	[tilespmem:s9+$0x0] =	vst v46;
	s7 =	sadd.s32 s24, s7;
	v53 =	vld.idx.msk [tilespmem:v47+s2+$0x0], $0xffff;
	s14 =	sld [smem:$0x7F4]  }
0x1c2: {  	v55 =	vadd.s32 $0x709E, v5;
	v54 =	vld.idx.msk [tilespmem:v48+s2+$0x0], $0xffff;
	s9 =	sld [smem:$0x7F5];
	s13 =	sadd.s32 s23, s5;
	s7 =	sadd.s32 s25, s7  }
0x1c3: {  	v56 =	vadd.s32 $0x745F, v0;
	v8 =	vld.idx.msk [tilespmem:v49+s2+$0x0], $0xffff;
	s5 =	sld [smem:$0x7F6];
	s4 =	sadd.s32 s26, s10;
	s1 =	sadd.s32 s22, s13;
	[tilespmem:s7+$0x0] =	vst v11  }
0x1c4: {  	v57 =	vadd.s32 $0x745F, v1;
	s4 =	sadd.s32 s28, s4;
	[tilespmem:s1+$0x0] =	vst v9;
	v6 =	vld.idx.msk [tilespmem:v51+s2+$0x0], $0xffff;
	s13 =	sld [smem:$0x7F5];
	s3 =	sadd.s32 s31, s14  }
0x1c5: {  	v59 =	vadd.s32 $0x745F, v3;
	s8 =	sadd.s32 s19, s8;
	[tilespmem:s4+$0x0] =	vst v7;
	v9 =	vld.idx.msk [tilespmem:v50+s2+$0x0], $0xffff;
	s10 =	sld [smem:$0x7F5];
	s3 =	sadd.s32 s30, s3  }
0x1c6: {  	v58 =	vadd.s32 $0x745F, v2;
	s8 =	sadd.s32 s18, s8;
	s1 =	sadd.s32 s20, s9;
	v7 =	vld.idx.msk [tilespmem:v52+s2+$0x0], $0xffff;
	s14 =	sld [smem:$0x7F5];
	[tilespmem:s3+$0x0] =	vst v53  }
0x1c7: {  	v60 =	vadd.s32 $0x745F, v4;
	[tilespmem:s8+$0x0] =	vst v54;
	s1 =	sadd.s32 s21, s1;
	s4 =	sadd.s32 s24, s13;
	v61 =	vld.idx.msk [tilespmem:v55+s2+$0x0], $0xffff;
	s9 =	sld [smem:$0x7F5]  }
0x1c8: {  	v62 =	vadd.s32 $0x745F, v5;
	v0 =	vld.idx.msk [tilespmem:v56+s2+$0x0], $0xffff;
	[tilespmem:s1+$0x0] =	vst v8;
	s13 =	sld [smem:$0x7F6];
	s7 =	sadd.s32 s23, s10;
	s4 =	sadd.s32 s25, s4  }
0x1c9: {  	v1 =	vld.idx.msk [tilespmem:v57+s2+$0x0], $0xffff;
	s10 =	sld [smem:$0x7F6];
	s7 =	sadd.s32 s22, s7;
	s3 =	sadd.s32 s26, s14;
	[tilespmem:s4+$0x0] =	vst v6  }
0x1ca: {  	s0 =	sadd.s32 s19, s0;
	[tilespmem:s7+$0x0] =	vst v9;
	s3 =	sadd.s32 s28, s3;
	v3 =	vld.idx.msk [tilespmem:v59+s2+$0x0], $0xffff;
	s8 =	sadd.s32 s31, s9  }
0x1cb: {  	s0 =	sadd.s32 s18, s0;
	s14 =	sld [smem:$0x7F6];
	v2 =	vld.idx.msk [tilespmem:v58+s2+$0x0], $0xffff;
	[tilespmem:s3+$0x0] =	vst v7;
	s8 =	sadd.s32 s30, s8  }
0x1cc: {  	s5 =	sadd.s32 s20, s5;
	s19 =	sld [smem:$0x7F6];
	s1 =	sadd.s32 s23, s10;
	v4 =	vld.idx.msk [tilespmem:v60+s2+$0x0], $0xffff;
	[tilespmem:s8+$0x0] =	vst v61  }
0x1cd: {  	s20 =	sadd.s32 s21, s5;
	[tilespmem:s0+$0x0] =	vst v0;
	s21 =	sadd.s32 s22, s1;
	s22 =	sadd.s32 s24, s13;
	v63 =	vld.idx.msk [tilespmem:v62+s2+$0x0], $0xffff  }
0x1ce: {  	[tilespmem:s20+$0x0] =	vst v1;
	s23 =	sadd.s32 s25, s22  }
0x1cf: {  	s24 =	sadd.s32 s26, s14;
	[tilespmem:s23+$0x0] =	vst v3  }
0x1d0: {  	s26 =	sadd.s32 s31, s19;
	s25 =	sadd.s32 s28, s24;
	[tilespmem:s21+$0x0] =	vst v2  }
0x1d1: {  	s28 =	sadd.s32 s30, s26;
	s30 =	sshll.u32 s17, $0x4;
	[tilespmem:s25+$0x0] =	vst v4  }
0x1d2: {  	s31 =	sadd.s32 $0x0, s29;
	s1 =	simm.s32 $0x400;
	s0 =	sadd.s32 s30, s6;
	[tilespmem:s28+$0x0] =	vst v63  }
0x1d3: {  	[hbm4b:s0+s11] =	stream.strided.scatter [tilespmem:s31], [sflag:$0x4], $0x100, s12, s11, $0x38;
	[tilespmem:$0xC880] =	vst v63  }
.LBB2_5:
0x1d4: {  	p1 =	sne.s32 s1, $0x7C00  }
.Ltmp1:
0x1d5: {  	_ = 	snop;
	(pc) =	sbr.rel @p1 .LBB2_5-.Ltmp1, $4  }
0x1d6: {  	_ = 	snop  }
0x1d7: {  	s3 =	sshra.s32 s1, $0x2;
	s1 =	sadd.s32 $0x400, s1  }
0x1d8: {  	s0 =	sadd.s32 $0x2000, s0;
	s3 =	sadd.s32 s3, s29  }
0x1d9: {  	[hbm4b:s0+s11] =	stream.strided.scatter [tilespmem:s3], [sflag:$0x4], $0x100, s12, s11, $0x38;
	[tilespmem:$0xC880] =	vst v63  }
0x1da: {  	s17 =	sadd.s32 $0x1, s17  }
0x1db: {  	p1 =	sne.s32 s17, $0x8  }
.Ltmp2:
0x1dc: {  	_ = 	snop;
	(pc) =	sbr.rel @p1 .LBB2_2-.Ltmp2, $2  }
0x1dd: {  	_ =	sdelay $0x2  }
0x1de: {  	s15 =	sadd.s32 $0x100, s15;
	s16 =	sadd.s32 $0x100, s16;
	p0 =	por !p0, !p0  }
0x1df: {  	s1 =	simm.s32 $0x4  }
0x1e0: {  	_ =	swait.ge [sflag:s1], $0x2000  }
0x1e1: {  	[sflag:s1] =	ssyncset.done $0x0  }
0x1e2: {  	[sflag:s1] =	ssyncadd.s32 $0xFFFFE000  }
0x1e3: {  	_ =	swait.ge [sflag:s1], $0x2000  }
0x1e4: {  	s3 =	sld [smem:$0x7F9]  }
0x1e5: {  	s0 =	sld [smem:$0x7FD];
	_ =	sdelay $0x1  }
0x1e6: {  	s3 =	sadd.s32 $0x1, s3  }
0x1e7: {  	p0 =	sne.s32 s3, s0  }
.Ltmp3:
0x1e8: {  	_ = 	snop;
	(pc) =	sbr.rel @p0 .LBB2_1-.Ltmp3, $3  }
0x1e9: {  	_ =	sdelay $0x1  }
0x1ea: {  	[sflag:s1] =	ssyncset.done $0x0  }
0x1eb: {  	[sflag:s1] =	ssyncadd.s32 $0xFFFFE000  }
0x1ec: {  	_ =	sfence.sel $0x180000  }
0x1ed: {  	[bflag:$0x0] =	sbarrier.arrive $0xFFFF  }
0x1ee: {  	_ =	strace $0x90000047  }
0x1ef: {  	s0 =	stileid.u32;
	[bflag:$0x2] =	sbarrier.arrive $0xFFFF  }
0x1f0: {  	p0 =	sne.s32 s0, $0x0;
	s0 =	rddreg [dreg:$0x4]  }
0x1f1: {  	s0 =	sadd.s32 @!p0 $0x100000, s0  }
0x1f2: {  	[sflag:s0] =	ssyncadd.tile.s32 @!p0 $0x1;
	_ =	shalt  }
.Lfunc_end2:
_tile_overlayer_lowered:
.L_overlay_start_2:
0x1f3: {  	(tag) =	ssettag $0x2  }
0x1f4: {  	s0 =	rddreg [dreg:$0x0];
	s2 =	stileid.u32  }
0x1f5: {  	s1 =	rddreg [dreg:$0x1];
	p0 =	sne.s32 s2, $0x0  }
0x1f6: {  	s3 =	rddreg [dreg:$0x2];
	[bflag:$0x3] =	sbarrier.arrive $0xFFFF;
	s2 =	simm.s32 @!p0 $0x1C05  }
0x1f7: {  	[timem:s3], [sflag:s2] =	dma.local @!p0 [hbm:s0], s1  }
0x1f8: {  	s0 =	simm.s32 @!p0 $0x5  }
0x1f9: {  	_ =	swait.ge @!p0 [sflag:s0], s1  }
0x1fa: {  	s1 =	ssub.s32 @!p0 $0x0, s1;
	[sflag:s0] =	ssyncset.done @!p0 $0x0  }
0x1fb: {  	[sflag:s0] =	ssyncadd.s32 @!p0 s1  }
0x1fc: {  	[bflag:$0x3] =	sbarrier.arrive $0xFFFF  }
0x1fd: {  	_ =	shalt  }

</sc_bundles>
